<compile_context>
chip_gen: v7x
topology: tpu7x:2x2x1
jax: 0.10.2.dev20260603
libtpu: 0.0.44.dev20260713+nightly
codegen_flags: <defaults>
</compile_context>

<pallas_src>
import functools

import jax
import jax.numpy as jnp
from jax import lax
from jax.experimental import pallas as pl
from jax.experimental.pallas import tpu as pltpu
from jax.experimental.pallas import tpu_sc as plsc

N = 10000
E = 320000
D = 128
NC = 2
NS = 16
LANE = 128
CH = 79
EPAD = NC * NS * CH * LANE - E
NPAD = 10240
NPT = NPAD // NS
DUMMY = N
BLK = 1024

_vmesh = plsc.VectorSubcoreMesh(core_axis_name="c", subcore_axis_name="s")


@functools.partial(
    pl.kernel,
    out_type=jax.ShapeDtypeStruct((NC, NPAD), jnp.float32),
    mesh=_vmesh,
    scratch_types=[
        pltpu.VMEM((CH, LANE), jnp.int32),
        pltpu.VMEM((LANE,), jnp.float32),
        pltpu.VMEM((NPT,), jnp.float32),
        pltpu.VMEM_SHARED((NPAD,), jnp.float32),
    ],
)
def _deg_kernel(dst_hbm, deg_hbm, dst_v, ones_v, zeros_v, deg_sh):
    c = lax.axis_index("c")
    s = lax.axis_index("s")

    def fill0(i, _):
        zeros_v[pl.ds(i * 16, 16)] = jnp.zeros((16,), jnp.float32)
        return _

    lax.fori_loop(0, NPT // 16, fill0, 0)

    def fill1(i, _):
        ones_v[pl.ds(i * 16, 16)] = jnp.ones((16,), jnp.float32)
        return _

    lax.fori_loop(0, LANE // 16, fill1, 0)

    base = s * NPT
    pltpu.sync_copy(zeros_v, deg_sh.at[pl.ds(base, NPT)])
    pltpu.sync_copy(dst_hbm.at[c].at[s], dst_v)
    plsc.subcore_barrier()

    def chunk(j, _):
        pltpu.sync_copy(ones_v, deg_sh.at[dst_v.at[j]], add=True)
        return _

    lax.fori_loop(0, CH, chunk, 0)
    plsc.subcore_barrier()
    pltpu.sync_copy(deg_sh.at[pl.ds(base, NPT)],
                    deg_hbm.at[c].at[pl.ds(base, NPT)])


def _mm_body(x_ref, w_ref, deg0_ref, deg1_ref, hp_ref, dis_ref):
    deg = deg0_ref[0, 0] + deg1_ref[0, 0] + 1.0
    dis = lax.rsqrt(deg)
    h = jnp.dot(x_ref[...], w_ref[...], preferred_element_type=jnp.float32)
    hp_ref[...] = h * dis[:, None]
    dis_ref[0, 0] = dis


def _mm_call(x, W, deg0, deg1):
    grid = NPAD // BLK
    return pl.pallas_call(
        _mm_body,
        grid=(grid,),
        in_specs=[
            pl.BlockSpec((BLK, D), lambda i: (i, 0)),
            pl.BlockSpec((D, D), lambda i: (0, 0)),
            pl.BlockSpec((1, 1, BLK), lambda i: (i, 0, 0)),
            pl.BlockSpec((1, 1, BLK), lambda i: (i, 0, 0)),
        ],
        out_specs=[
            pl.BlockSpec((BLK, D), lambda i: (i, 0)),
            pl.BlockSpec((1, 1, BLK), lambda i: (i, 0, 0)),
        ],
        out_shape=[
            jax.ShapeDtypeStruct((NPAD, D), jnp.float32),
            jax.ShapeDtypeStruct((grid, 1, BLK), jnp.float32),
        ],
    )(x, W, deg0, deg1)


@functools.partial(
    pl.kernel,
    out_type=jax.ShapeDtypeStruct((NC, NPAD, D), jnp.float32),
    mesh=_vmesh,
    scratch_types=[
        pltpu.VMEM((CH, LANE), jnp.int32),
        pltpu.VMEM((CH, LANE), jnp.int32),
        pltpu.VMEM((LANE, D), jnp.float32),
        pltpu.VMEM_SHARED((NPAD, D), jnp.float32),
        pltpu.SemaphoreType.DMA,
    ],
)
def _scatter_kernel(hp_hbm, src_hbm, dst_hbm, acc_hbm, src_v, dst_v, rows_v,
                    acc_sh, sem):
    c = lax.axis_index("c")
    s = lax.axis_index("s")
    pltpu.sync_copy(src_hbm.at[c].at[s], src_v)
    pltpu.sync_copy(dst_hbm.at[c].at[s], dst_v)
    base = s * NPT
    pltpu.sync_copy(hp_hbm.at[pl.ds(base, NPT)], acc_sh.at[pl.ds(base, NPT)])
    plsc.subcore_barrier()

    def chunk(j, _):
        pltpu.async_copy(hp_hbm.at[src_v.at[j]], rows_v, sem).wait()
        pltpu.sync_copy(rows_v, acc_sh.at[dst_v.at[j]], add=True)
        return _

    lax.fori_loop(0, CH, chunk, 0)
    plsc.subcore_barrier()
    pltpu.sync_copy(acc_sh.at[pl.ds(base, NPT)],
                    acc_hbm.at[c].at[pl.ds(base, NPT)])


def _ep_body(acc_ref, hp_ref, dis_ref, b_ref, out_ref):
    total = acc_ref[0] + acc_ref[1] - hp_ref[...]
    out_ref[...] = total * dis_ref[0, 0][:, None] + b_ref[...]


def _ep_call(acc, hp, dis, b):
    grid = NPAD // BLK
    return pl.pallas_call(
        _ep_body,
        grid=(grid,),
        in_specs=[
            pl.BlockSpec((NC, BLK, D), lambda i: (0, i, 0)),
            pl.BlockSpec((BLK, D), lambda i: (i, 0)),
            pl.BlockSpec((1, 1, BLK), lambda i: (i, 0, 0)),
            pl.BlockSpec((D,), lambda i: (0,)),
        ],
        out_specs=pl.BlockSpec((BLK, D), lambda i: (i, 0)),
        out_shape=jax.ShapeDtypeStruct((N, D), jnp.float32),
    )(acc, hp, dis, b)


def kernel(x, edge_index, W, b):
    src = edge_index[0]
    dst = edge_index[1]
    srcp = jnp.concatenate(
        [src, jnp.zeros((EPAD,), jnp.int32)]).reshape(NC, NS, CH, LANE)
    dstp = jnp.concatenate(
        [dst, jnp.full((EPAD,), DUMMY, jnp.int32)]).reshape(NC, NS, CH, LANE)

    degs = _deg_kernel(dstp)
    deg0 = degs[0].reshape(NPAD // BLK, 1, BLK)
    deg1 = degs[1].reshape(NPAD // BLK, 1, BLK)
    hp, dis = _mm_call(x, W, deg0, deg1)
    acc = _scatter_kernel(hp, srcp, dstp)
    return _ep_call(acc, hp, dis, b)

# --- scband reference (transcript-rebuilt; emitter-appended) ---
"""Pipeline reference for scband-linear-spatial-30133490549252 (READ-ONLY COPY).

The authoritative reference and input builder live on the scoring server;
editing this copy changes nothing except your own understanding.
"""

import jax, jax.numpy as jnp
import numpy as np

N_NODES = 10000
N_EDGES = 320000
D_IN = 128
D_OUT = 128


def setup_inputs(seed: int = 0) -> dict:
    key = jax.random.key(seed)
    k1, k2, k3 = jax.random.split(key, 3)
    x = jax.random.normal(k1, (N_NODES, D_IN), dtype=jnp.float32)
    edge_index = jax.random.randint(k2, (2, N_EDGES), 0, N_NODES, dtype=jnp.int32)
    # GCNConv linear weight (stored as [in, out] so forward is x @ W) and bias
    scale = 1.0 / np.sqrt(D_IN)
    W = jax.random.uniform(k3, (D_IN, D_OUT), dtype=jnp.float32, minval=-scale, maxval=scale)
    b = jnp.zeros((D_OUT,), dtype=jnp.float32)
    return {"x": x, "edge_index": edge_index, "W": W, "b": b}


def reference(x, edge_index, W, b):
    # Faithful GCNConv: add self-loops, symmetric normalization, linear, scatter-add, bias.
    N = x.shape[0]
    loop = jnp.arange(N, dtype=edge_index.dtype)
    src = jnp.concatenate([edge_index[0], loop])
    dst = jnp.concatenate([edge_index[1], loop])
    # linear transform first (as in PyG GCNConv)
    h = x @ W
    # degree computed on destination nodes with unit edge weights (incl. self-loops)
    deg = jnp.zeros((N,), dtype=h.dtype).at[dst].add(1.0)
    deg_inv_sqrt = jnp.where(deg > 0, jax.lax.rsqrt(jnp.maximum(deg, 1e-12)), 0.0)
    norm = deg_inv_sqrt[src] * deg_inv_sqrt[dst]
    msgs = norm[:, None] * h[src]
    out = jnp.zeros((N, h.shape[1]), dtype=h.dtype).at[dst].add(msgs)
    out = out + b
    return out

if __name__ == "__main__":
    import jax
    _d = setup_inputs()
    print(jax.jit(kernel)(*tuple(_d.values())))

</pallas_src>

<mosaic_0001>
#map = affine_map<(d0, d1) -> (0, 0, 0, 0)>
#map1 = affine_map<(d0, d1) -> (0, 0)>
module attributes {stable_mosaic.version = 14 : i64} {
  func.func @_deg_kernel(%arg0: i32, %arg1: i32, %arg2: memref<2x16x79x128xi32, #tpu.memory_space<hbm>>, %arg3: memref<2x10240xf32, #tpu.memory_space<hbm>>, %arg4: memref<79x128xi32, #tpu.memory_space<vmem>>, %arg5: memref<128xf32, #tpu.memory_space<vmem>>, %arg6: memref<640xf32, #tpu.memory_space<vmem>>, %arg7: memref<10240xf32, #tpu.memory_space<vmem_shared>>) attributes {dimension_semantics = [#tpu.dimension_semantics<core_parallel>, #tpu.dimension_semantics<subcore_parallel>], iteration_bounds = array<i64: 2, 16>, scalar_prefetch = 0 : i64, scratch_operands = 4 : i64, tpu.core_type = #tpu.core_type<sc_vector_subcore>, window_params = [{transform_indices = #map}, {transform_indices = #map1}]} {
    %scan3A = arith.constant 0 : i32
    %scan3A_0 = arith.constant 0 : i32
    %scan3A_1 = arith.constant 40 : i32
    %scan3A_2 = arith.addi %scan3A_0, %scan3A_1 : i32
    %scan3A_3 = arith.constant 1 : i32
    scf.for %scan3A_19 = %scan3A_0 to %scan3A_2 step %scan3A_3  : i32 {
      %broadcast_in_dim3A = arith.constant 0.000000e+00 : f32
      %broadcast_in_dim3A_20 = vector.broadcast %broadcast_in_dim3A : f32 to vector<16xf32>
      %mul3A_21 = arith.constant 16 : i32
      %mul3A_22 = arith.muli %scan3A_19, %mul3A_21 : i32
      %swap3A = arith.index_cast %mul3A_22 : i32 to index
      %swap3A_23 = tpu.vector_load %arg6[%swap3A] {strides = array<i32>} : memref<640xf32, #tpu.memory_space<vmem>>, vector<16xf32>,
      %swap3A_24 = vector.shape_cast %swap3A_23 : vector<16xf32> to vector<16xf32>
      %swap3A_25 = vector.shape_cast %broadcast_in_dim3A_20 : vector<16xf32> to vector<16xf32>
      tpu.vector_store %arg6[%swap3A], %swap3A_25 {strides = array<i32>} : memref<640xf32, #tpu.memory_space<vmem>>, vector<16xf32>,
    }
    %scan3A_4 = arith.constant 40 : i32
    %scan3A_5 = arith.constant 0 : i32
    %scan3A_6 = arith.constant 0 : i32
    %scan3A_7 = arith.constant 8 : i32
    %scan3A_8 = arith.addi %scan3A_6, %scan3A_7 : i32
    %scan3A_9 = arith.constant 1 : i32
    scf.for %scan3A_19 = %scan3A_6 to %scan3A_8 step %scan3A_9  : i32 {
      %broadcast_in_dim3A = arith.constant 1.000000e+00 : f32
      %broadcast_in_dim3A_20 = vector.broadcast %broadcast_in_dim3A : f32 to vector<16xf32>
      %mul3A_21 = arith.constant 16 : i32
      %mul3A_22 = arith.muli %scan3A_19, %mul3A_21 : i32
      %swap3A = arith.index_cast %mul3A_22 : i32 to index
      %swap3A_23 = tpu.vector_load %arg5[%swap3A] {strides = array<i32>} : memref<128xf32, #tpu.memory_space<vmem>>, vector<16xf32>,
      %swap3A_24 = vector.shape_cast %swap3A_23 : vector<16xf32> to vector<16xf32>
      %swap3A_25 = vector.shape_cast %broadcast_in_dim3A_20 : vector<16xf32> to vector<16xf32>
      tpu.vector_store %arg5[%swap3A], %swap3A_25 {strides = array<i32>} : memref<128xf32, #tpu.memory_space<vmem>>, vector<16xf32>,
    }
    %scan3A_10 = arith.constant 8 : i32
    %mul3A = arith.constant 640 : i32
    %mul3A_11 = arith.muli %arg1, %mul3A : i32
    "tpu.region"() ({
      %run_scoped3A = tpu.sem_alloc : memref<!tpu.dma_semaphore, #tpu.memory_space<semaphore_mem>>
      %dma_start3A = tpu.memref_slice %arg7[%mul3A_11] : memref<10240xf32, #tpu.memory_space<vmem_shared>> -> memref<640xf32, #tpu.memory_space<vmem_shared>>
      %dma_start3A_19 = tpu.memref_slice %arg7[%mul3A_11] : memref<10240xf32, #tpu.memory_space<vmem_shared>> -> memref<640xf32, #tpu.memory_space<vmem_shared>>
      tpu.enqueue_dma source(%arg6 : memref<640xf32, #tpu.memory_space<vmem>>) target(%dma_start3A_19 : memref<640xf32, #tpu.memory_space<vmem_shared>>) target_semaphore(%run_scoped3A : memref<!tpu.dma_semaphore, #tpu.memory_space<semaphore_mem>>)
      %dma_wait3A = tpu.memref_slice %arg7[%mul3A_11] : memref<10240xf32, #tpu.memory_space<vmem_shared>> -> memref<640xf32, #tpu.memory_space<vmem_shared>>
      %dma_wait3A_20 = tpu.memref_slice %arg7[%mul3A_11] : memref<10240xf32, #tpu.memory_space<vmem_shared>> -> memref<640xf32, #tpu.memory_space<vmem_shared>>
      tpu.wait_dma2 semaphore(%run_scoped3A : memref<!tpu.dma_semaphore, #tpu.memory_space<semaphore_mem>>) src(%arg6 : memref<640xf32, #tpu.memory_space<vmem>>) dst(%dma_wait3A_20 : memref<640xf32, #tpu.memory_space<vmem_shared>>)
      tpu.yield
    }) : () -> ()
    "tpu.region"() ({
      %run_scoped3A = tpu.sem_alloc : memref<!tpu.dma_semaphore, #tpu.memory_space<semaphore_mem>>
      %dma_start3A = arith.constant 0 : i32
      %dma_start3A_19 = arith.constant 0 : i32
      %dma_start3A_20 = arith.constant 0 : i32
      %dma_start3A_21 = tpu.memref_slice %arg2[%arg0, %dma_start3A, %dma_start3A_19, %dma_start3A_20] : memref<2x16x79x128xi32, #tpu.memory_space<hbm>> -> memref<1x16x79x128xi32, #tpu.memory_space<hbm>>
      %dma_start3A_22 = tpu.memref_squeeze %dma_start3A_21 : memref<1x16x79x128xi32, #tpu.memory_space<hbm>> -> memref<16x79x128xi32, #tpu.memory_space<hbm>>
      %dma_start3A_23 = arith.constant 0 : i32
      %dma_start3A_24 = arith.constant 0 : i32
      %dma_start3A_25 = tpu.memref_slice %dma_start3A_22[%arg1, %dma_start3A_23, %dma_start3A_24] : memref<16x79x128xi32, #tpu.memory_space<hbm>> -> memref<1x79x128xi32, #tpu.memory_space<hbm>>
      %dma_start3A_26 = tpu.memref_squeeze %dma_start3A_25 : memref<1x79x128xi32, #tpu.memory_space<hbm>> -> memref<79x128xi32, #tpu.memory_space<hbm>>
      %dma_start3A_27 = arith.constant 0 : i32
      %dma_start3A_28 = arith.constant 0 : i32
      %dma_start3A_29 = arith.constant 0 : i32
      %dma_start3A_30 = tpu.memref_slice %arg2[%arg0, %dma_start3A_27, %dma_start3A_28, %dma_start3A_29] : memref<2x16x79x128xi32, #tpu.memory_space<hbm>> -> memref<1x16x79x128xi32, #tpu.memory_space<hbm>>
      %dma_start3A_31 = tpu.memref_squeeze %dma_start3A_30 : memref<1x16x79x128xi32, #tpu.memory_space<hbm>> -> memref<16x79x128xi32, #tpu.memory_space<hbm>>
      %dma_start3A_32 = arith.constant 0 : i32
      %dma_start3A_33 = arith.constant 0 : i32
      %dma_start3A_34 = tpu.memref_slice %dma_start3A_31[%arg1, %dma_start3A_32, %dma_start3A_33] : memref<16x79x128xi32, #tpu.memory_space<hbm>> -> memref<1x79x128xi32, #tpu.memory_space<hbm>>
      %dma_start3A_35 = tpu.memref_squeeze %dma_start3A_34 : memref<1x79x128xi32, #tpu.memory_space<hbm>> -> memref<79x128xi32, #tpu.memory_space<hbm>>
      tpu.enqueue_dma source(%dma_start3A_35 : memref<79x128xi32, #tpu.memory_space<hbm>>) target(%arg4 : memref<79x128xi32, #tpu.memory_space<vmem>>) target_semaphore(%run_scoped3A : memref<!tpu.dma_semaphore, #tpu.memory_space<semaphore_mem>>)
      %dma_wait3A = arith.constant 0 : i32
      %dma_wait3A_36 = arith.constant 0 : i32
      %dma_wait3A_37 = arith.constant 0 : i32
      %dma_wait3A_38 = tpu.memref_slice %arg2[%arg0, %dma_wait3A, %dma_wait3A_36, %dma_wait3A_37] : memref<2x16x79x128xi32, #tpu.memory_space<hbm>> -> memref<1x16x79x128xi32, #tpu.memory_space<hbm>>
      %dma_wait3A_39 = tpu.memref_squeeze %dma_wait3A_38 : memref<1x16x79x128xi32, #tpu.memory_space<hbm>> -> memref<16x79x128xi32, #tpu.memory_space<hbm>>
      %dma_wait3A_40 = arith.constant 0 : i32
      %dma_wait3A_41 = arith.constant 0 : i32
      %dma_wait3A_42 = tpu.memref_slice %dma_wait3A_39[%arg1, %dma_wait3A_40, %dma_wait3A_41] : memref<16x79x128xi32, #tpu.memory_space<hbm>> -> memref<1x79x128xi32, #tpu.memory_space<hbm>>
      %dma_wait3A_43 = tpu.memref_squeeze %dma_wait3A_42 : memref<1x79x128xi32, #tpu.memory_space<hbm>> -> memref<79x128xi32, #tpu.memory_space<hbm>>
      %dma_wait3A_44 = arith.constant 0 : i32
      %dma_wait3A_45 = arith.constant 0 : i32
      %dma_wait3A_46 = arith.constant 0 : i32
      %dma_wait3A_47 = tpu.memref_slice %arg2[%arg0, %dma_wait3A_44, %dma_wait3A_45, %dma_wait3A_46] : memref<2x16x79x128xi32, #tpu.memory_space<hbm>> -> memref<1x16x79x128xi32, #tpu.memory_space<hbm>>
      %dma_wait3A_48 = tpu.memref_squeeze %dma_wait3A_47 : memref<1x16x79x128xi32, #tpu.memory_space<hbm>> -> memref<16x79x128xi32, #tpu.memory_space<hbm>>
      %dma_wait3A_49 = arith.constant 0 : i32
      %dma_wait3A_50 = arith.constant 0 : i32
      %dma_wait3A_51 = tpu.memref_slice %dma_wait3A_48[%arg1, %dma_wait3A_49, %dma_wait3A_50] : memref<16x79x128xi32, #tpu.memory_space<hbm>> -> memref<1x79x128xi32, #tpu.memory_space<hbm>>
      %dma_wait3A_52 = tpu.memref_squeeze %dma_wait3A_51 : memref<1x79x128xi32, #tpu.memory_space<hbm>> -> memref<79x128xi32, #tpu.memory_space<hbm>>
      tpu.wait_dma2 semaphore(%run_scoped3A : memref<!tpu.dma_semaphore, #tpu.memory_space<semaphore_mem>>) src(%dma_wait3A_52 : memref<79x128xi32, #tpu.memory_space<hbm>>) dst(%arg4 : memref<79x128xi32, #tpu.memory_space<vmem>>)
      tpu.yield
    }) : () -> ()
    %barrier3A = arith.constant 0 : index
    tpu.barrier barrier_id(%barrier3A)
    %scan3A_12 = arith.constant 0 : i32
    %scan3A_13 = arith.constant 0 : i32
    %scan3A_14 = arith.constant 79 : i32
    %scan3A_15 = arith.addi %scan3A_13, %scan3A_14 : i32
    %scan3A_16 = arith.constant 1 : i32
    scf.for %scan3A_19 = %scan3A_13 to %scan3A_15 step %scan3A_16  : i32 {
      "tpu.region"() ({
        %run_scoped3A = tpu.sem_alloc : memref<!tpu.dma_semaphore, #tpu.memory_space<semaphore_mem>>
        %dma_start3A = arith.constant 0 : i32
        %dma_start3A_20 = tpu.memref_slice %arg4[%scan3A_19, %dma_start3A] : memref<79x128xi32, #tpu.memory_space<vmem>> -> memref<1x128xi32, #tpu.memory_space<vmem>>
        %dma_start3A_21 = tpu.memref_squeeze %dma_start3A_20 : memref<1x128xi32, #tpu.memory_space<vmem>> -> memref<128xi32, #tpu.memory_space<vmem>>
        %dma_start3A_22 = arith.constant 0 : i32
        %dma_start3A_23 = tpu.memref_slice %arg7[%dma_start3A_22] : memref<10240xf32, #tpu.memory_space<vmem_shared>> -> memref<10240xf32, #tpu.memory_space<vmem_shared>>
        tpu.enqueue_indirect_dma source(%arg5 : memref<128xf32, #tpu.memory_space<vmem>>) target(%dma_start3A_23 : memref<10240xf32, #tpu.memory_space<vmem_shared>>) offsets(%dma_start3A_21 : memref<128xi32, #tpu.memory_space<vmem>>) semaphore(%run_scoped3A : memref<!tpu.dma_semaphore, #tpu.memory_space<semaphore_mem>>) {add = true}
        %dma_wait3A = arith.constant 0 : i32
        %dma_wait3A_24 = tpu.memref_slice %arg4[%scan3A_19, %dma_wait3A] : memref<79x128xi32, #tpu.memory_space<vmem>> -> memref<1x128xi32, #tpu.memory_space<vmem>>
        %dma_wait3A_25 = tpu.memref_squeeze %dma_wait3A_24 : memref<1x128xi32, #tpu.memory_space<vmem>> -> memref<128xi32, #tpu.memory_space<vmem>>
        %dma_wait3A_26 = arith.constant 0 : i32
        %dma_wait3A_27 = tpu.memref_slice %arg7[%dma_wait3A_26] : memref<10240xf32, #tpu.memory_space<vmem_shared>> -> memref<10240xf32, #tpu.memory_space<vmem_shared>>
        tpu.wait_indirect_dma semaphore(%run_scoped3A : memref<!tpu.dma_semaphore, #tpu.memory_space<semaphore_mem>>) src(%arg5 : memref<128xf32, #tpu.memory_space<vmem>>) dst(%dma_wait3A_27 : memref<10240xf32, #tpu.memory_space<vmem_shared>>)
        tpu.yield
      }) : () -> ()
    }
    %scan3A_17 = arith.constant 79 : i32
    %barrier3A_18 = arith.constant 0 : index
    tpu.barrier barrier_id(%barrier3A_18)
    "tpu.region"() ({
      %run_scoped3A = tpu.sem_alloc : memref<!tpu.dma_semaphore, #tpu.memory_space<semaphore_mem>>
      %dma_start3A = arith.constant 0 : i32
      %dma_start3A_19 = tpu.memref_slice %arg3[%arg0, %dma_start3A] : memref<2x10240xf32, #tpu.memory_space<hbm>> -> memref<1x10240xf32, #tpu.memory_space<hbm>>
      %dma_start3A_20 = tpu.memref_squeeze %dma_start3A_19 : memref<1x10240xf32, #tpu.memory_space<hbm>> -> memref<10240xf32, #tpu.memory_space<hbm>>
      %dma_start3A_21 = tpu.memref_slice %dma_start3A_20[%mul3A_11] : memref<10240xf32, #tpu.memory_space<hbm>> -> memref<640xf32, #tpu.memory_space<hbm>>
      %dma_start3A_22 = tpu.memref_slice %arg7[%mul3A_11] : memref<10240xf32, #tpu.memory_space<vmem_shared>> -> memref<640xf32, #tpu.memory_space<vmem_shared>>
      tpu.enqueue_dma source(%dma_start3A_22 : memref<640xf32, #tpu.memory_space<vmem_shared>>) target(%dma_start3A_21 : memref<640xf32, #tpu.memory_space<hbm>>) target_semaphore(%run_scoped3A : memref<!tpu.dma_semaphore, #tpu.memory_space<semaphore_mem>>)
      %dma_wait3A = arith.constant 0 : i32
      %dma_wait3A_23 = tpu.memref_slice %arg3[%arg0, %dma_wait3A] : memref<2x10240xf32, #tpu.memory_space<hbm>> -> memref<1x10240xf32, #tpu.memory_space<hbm>>
      %dma_wait3A_24 = tpu.memref_squeeze %dma_wait3A_23 : memref<1x10240xf32, #tpu.memory_space<hbm>> -> memref<10240xf32, #tpu.memory_space<hbm>>
      %dma_wait3A_25 = tpu.memref_slice %dma_wait3A_24[%mul3A_11] : memref<10240xf32, #tpu.memory_space<hbm>> -> memref<640xf32, #tpu.memory_space<hbm>>
      %dma_wait3A_26 = tpu.memref_slice %arg7[%mul3A_11] : memref<10240xf32, #tpu.memory_space<vmem_shared>> -> memref<640xf32, #tpu.memory_space<vmem_shared>>
      tpu.wait_dma2 semaphore(%run_scoped3A : memref<!tpu.dma_semaphore, #tpu.memory_space<semaphore_mem>>) src(%dma_wait3A_26 : memref<640xf32, #tpu.memory_space<vmem_shared>>) dst(%dma_wait3A_25 : memref<640xf32, #tpu.memory_space<hbm>>)
      tpu.yield
    }) : () -> ()
    return
  }
}

#map = affine_map<(d0, d1) -> (0, 0)>
#map1 = affine_map<(d0, d1) -> (0, 0, 0, 0)>
#map2 = affine_map<(d0, d1) -> (0, 0, 0)>
module attributes {stable_mosaic.version = 14 : i64} {
  func.func @_scatter_kernel(%arg0: i32, %arg1: i32, %arg2: memref<10240x128xf32, #tpu.memory_space<hbm>>, %arg3: memref<2x16x79x128xi32, #tpu.memory_space<hbm>>, %arg4: memref<2x16x79x128xi32, #tpu.memory_space<hbm>>, %arg5: memref<2x10240x128xf32, #tpu.memory_space<hbm>>, %arg6: memref<79x128xi32, #tpu.memory_space<vmem>>, %arg7: memref<79x128xi32, #tpu.memory_space<vmem>>, %arg8: memref<128x128xf32, #tpu.memory_space<vmem>>, %arg9: memref<10240x128xf32, #tpu.memory_space<vmem_shared>>, %arg10: memref<!tpu.dma_semaphore, #tpu.memory_space<semaphore_mem>>) attributes {dimension_semantics = [#tpu.dimension_semantics<core_parallel>, #tpu.dimension_semantics<subcore_parallel>], iteration_bounds = array<i64: 2, 16>, scalar_prefetch = 0 : i64, scratch_operands = 5 : i64, tpu.core_type = #tpu.core_type<sc_vector_subcore>, window_params = [{transform_indices = #map}, {transform_indices = #map1}, {transform_indices = #map1}, {transform_indices = #map2}]} {
    "tpu.region"() ({
      %run_scoped3A = tpu.sem_alloc : memref<!tpu.dma_semaphore, #tpu.memory_space<semaphore_mem>>
      %dma_start3A = arith.constant 0 : i32
      %dma_start3A_7 = arith.constant 0 : i32
      %dma_start3A_8 = arith.constant 0 : i32
      %dma_start3A_9 = tpu.memref_slice %arg3[%arg0, %dma_start3A, %dma_start3A_7, %dma_start3A_8] : memref<2x16x79x128xi32, #tpu.memory_space<hbm>> -> memref<1x16x79x128xi32, #tpu.memory_space<hbm>>
      %dma_start3A_10 = tpu.memref_squeeze %dma_start3A_9 : memref<1x16x79x128xi32, #tpu.memory_space<hbm>> -> memref<16x79x128xi32, #tpu.memory_space<hbm>>
      %dma_start3A_11 = arith.constant 0 : i32
      %dma_start3A_12 = arith.constant 0 : i32
      %dma_start3A_13 = tpu.memref_slice %dma_start3A_10[%arg1, %dma_start3A_11, %dma_start3A_12] : memref<16x79x128xi32, #tpu.memory_space<hbm>> -> memref<1x79x128xi32, #tpu.memory_space<hbm>>
      %dma_start3A_14 = tpu.memref_squeeze %dma_start3A_13 : memref<1x79x128xi32, #tpu.memory_space<hbm>> -> memref<79x128xi32, #tpu.memory_space<hbm>>
      %dma_start3A_15 = arith.constant 0 : i32
      %dma_start3A_16 = arith.constant 0 : i32
      %dma_start3A_17 = arith.constant 0 : i32
      %dma_start3A_18 = tpu.memref_slice %arg3[%arg0, %dma_start3A_15, %dma_start3A_16, %dma_start3A_17] : memref<2x16x79x128xi32, #tpu.memory_space<hbm>> -> memref<1x16x79x128xi32, #tpu.memory_space<hbm>>
      %dma_start3A_19 = tpu.memref_squeeze %dma_start3A_18 : memref<1x16x79x128xi32, #tpu.memory_space<hbm>> -> memref<16x79x128xi32, #tpu.memory_space<hbm>>
      %dma_start3A_20 = arith.constant 0 : i32
      %dma_start3A_21 = arith.constant 0 : i32
      %dma_start3A_22 = tpu.memref_slice %dma_start3A_19[%arg1, %dma_start3A_20, %dma_start3A_21] : memref<16x79x128xi32, #tpu.memory_space<hbm>> -> memref<1x79x128xi32, #tpu.memory_space<hbm>>
      %dma_start3A_23 = tpu.memref_squeeze %dma_start3A_22 : memref<1x79x128xi32, #tpu.memory_space<hbm>> -> memref<79x128xi32, #tpu.memory_space<hbm>>
      tpu.enqueue_dma source(%dma_start3A_23 : memref<79x128xi32, #tpu.memory_space<hbm>>) target(%arg6 : memref<79x128xi32, #tpu.memory_space<vmem>>) target_semaphore(%run_scoped3A : memref<!tpu.dma_semaphore, #tpu.memory_space<semaphore_mem>>)
      %dma_wait3A = arith.constant 0 : i32
      %dma_wait3A_24 = arith.constant 0 : i32
      %dma_wait3A_25 = arith.constant 0 : i32
      %dma_wait3A_26 = tpu.memref_slice %arg3[%arg0, %dma_wait3A, %dma_wait3A_24, %dma_wait3A_25] : memref<2x16x79x128xi32, #tpu.memory_space<hbm>> -> memref<1x16x79x128xi32, #tpu.memory_space<hbm>>
      %dma_wait3A_27 = tpu.memref_squeeze %dma_wait3A_26 : memref<1x16x79x128xi32, #tpu.memory_space<hbm>> -> memref<16x79x128xi32, #tpu.memory_space<hbm>>
      %dma_wait3A_28 = arith.constant 0 : i32
      %dma_wait3A_29 = arith.constant 0 : i32
      %dma_wait3A_30 = tpu.memref_slice %dma_wait3A_27[%arg1, %dma_wait3A_28, %dma_wait3A_29] : memref<16x79x128xi32, #tpu.memory_space<hbm>> -> memref<1x79x128xi32, #tpu.memory_space<hbm>>
      %dma_wait3A_31 = tpu.memref_squeeze %dma_wait3A_30 : memref<1x79x128xi32, #tpu.memory_space<hbm>> -> memref<79x128xi32, #tpu.memory_space<hbm>>
      %dma_wait3A_32 = arith.constant 0 : i32
      %dma_wait3A_33 = arith.constant 0 : i32
      %dma_wait3A_34 = arith.constant 0 : i32
      %dma_wait3A_35 = tpu.memref_slice %arg3[%arg0, %dma_wait3A_32, %dma_wait3A_33, %dma_wait3A_34] : memref<2x16x79x128xi32, #tpu.memory_space<hbm>> -> memref<1x16x79x128xi32, #tpu.memory_space<hbm>>
      %dma_wait3A_36 = tpu.memref_squeeze %dma_wait3A_35 : memref<1x16x79x128xi32, #tpu.memory_space<hbm>> -> memref<16x79x128xi32, #tpu.memory_space<hbm>>
      %dma_wait3A_37 = arith.constant 0 : i32
      %dma_wait3A_38 = arith.constant 0 : i32
      %dma_wait3A_39 = tpu.memref_slice %dma_wait3A_36[%arg1, %dma_wait3A_37, %dma_wait3A_38] : memref<16x79x128xi32, #tpu.memory_space<hbm>> -> memref<1x79x128xi32, #tpu.memory_space<hbm>>
      %dma_wait3A_40 = tpu.memref_squeeze %dma_wait3A_39 : memref<1x79x128xi32, #tpu.memory_space<hbm>> -> memref<79x128xi32, #tpu.memory_space<hbm>>
      tpu.wait_dma2 semaphore(%run_scoped3A : memref<!tpu.dma_semaphore, #tpu.memory_space<semaphore_mem>>) src(%dma_wait3A_40 : memref<79x128xi32, #tpu.memory_space<hbm>>) dst(%arg6 : memref<79x128xi32, #tpu.memory_space<vmem>>)
      tpu.yield
    }) : () -> ()
    "tpu.region"() ({
      %run_scoped3A = tpu.sem_alloc : memref<!tpu.dma_semaphore, #tpu.memory_space<semaphore_mem>>
      %dma_start3A = arith.constant 0 : i32
      %dma_start3A_7 = arith.constant 0 : i32
      %dma_start3A_8 = arith.constant 0 : i32
      %dma_start3A_9 = tpu.memref_slice %arg4[%arg0, %dma_start3A, %dma_start3A_7, %dma_start3A_8] : memref<2x16x79x128xi32, #tpu.memory_space<hbm>> -> memref<1x16x79x128xi32, #tpu.memory_space<hbm>>
      %dma_start3A_10 = tpu.memref_squeeze %dma_start3A_9 : memref<1x16x79x128xi32, #tpu.memory_space<hbm>> -> memref<16x79x128xi32, #tpu.memory_space<hbm>>
      %dma_start3A_11 = arith.constant 0 : i32
      %dma_start3A_12 = arith.constant 0 : i32
      %dma_start3A_13 = tpu.memref_slice %dma_start3A_10[%arg1, %dma_start3A_11, %dma_start3A_12] : memref<16x79x128xi32, #tpu.memory_space<hbm>> -> memref<1x79x128xi32, #tpu.memory_space<hbm>>
      %dma_start3A_14 = tpu.memref_squeeze %dma_start3A_13 : memref<1x79x128xi32, #tpu.memory_space<hbm>> -> memref<79x128xi32, #tpu.memory_space<hbm>>
      %dma_start3A_15 = arith.constant 0 : i32
      %dma_start3A_16 = arith.constant 0 : i32
      %dma_start3A_17 = arith.constant 0 : i32
      %dma_start3A_18 = tpu.memref_slice %arg4[%arg0, %dma_start3A_15, %dma_start3A_16, %dma_start3A_17] : memref<2x16x79x128xi32, #tpu.memory_space<hbm>> -> memref<1x16x79x128xi32, #tpu.memory_space<hbm>>
      %dma_start3A_19 = tpu.memref_squeeze %dma_start3A_18 : memref<1x16x79x128xi32, #tpu.memory_space<hbm>> -> memref<16x79x128xi32, #tpu.memory_space<hbm>>
      %dma_start3A_20 = arith.constant 0 : i32
      %dma_start3A_21 = arith.constant 0 : i32
      %dma_start3A_22 = tpu.memref_slice %dma_start3A_19[%arg1, %dma_start3A_20, %dma_start3A_21] : memref<16x79x128xi32, #tpu.memory_space<hbm>> -> memref<1x79x128xi32, #tpu.memory_space<hbm>>
      %dma_start3A_23 = tpu.memref_squeeze %dma_start3A_22 : memref<1x79x128xi32, #tpu.memory_space<hbm>> -> memref<79x128xi32, #tpu.memory_space<hbm>>
      tpu.enqueue_dma source(%dma_start3A_23 : memref<79x128xi32, #tpu.memory_space<hbm>>) target(%arg7 : memref<79x128xi32, #tpu.memory_space<vmem>>) target_semaphore(%run_scoped3A : memref<!tpu.dma_semaphore, #tpu.memory_space<semaphore_mem>>)
      %dma_wait3A = arith.constant 0 : i32
      %dma_wait3A_24 = arith.constant 0 : i32
      %dma_wait3A_25 = arith.constant 0 : i32
      %dma_wait3A_26 = tpu.memref_slice %arg4[%arg0, %dma_wait3A, %dma_wait3A_24, %dma_wait3A_25] : memref<2x16x79x128xi32, #tpu.memory_space<hbm>> -> memref<1x16x79x128xi32, #tpu.memory_space<hbm>>
      %dma_wait3A_27 = tpu.memref_squeeze %dma_wait3A_26 : memref<1x16x79x128xi32, #tpu.memory_space<hbm>> -> memref<16x79x128xi32, #tpu.memory_space<hbm>>
      %dma_wait3A_28 = arith.constant 0 : i32
      %dma_wait3A_29 = arith.constant 0 : i32
      %dma_wait3A_30 = tpu.memref_slice %dma_wait3A_27[%arg1, %dma_wait3A_28, %dma_wait3A_29] : memref<16x79x128xi32, #tpu.memory_space<hbm>> -> memref<1x79x128xi32, #tpu.memory_space<hbm>>
      %dma_wait3A_31 = tpu.memref_squeeze %dma_wait3A_30 : memref<1x79x128xi32, #tpu.memory_space<hbm>> -> memref<79x128xi32, #tpu.memory_space<hbm>>
      %dma_wait3A_32 = arith.constant 0 : i32
      %dma_wait3A_33 = arith.constant 0 : i32
      %dma_wait3A_34 = arith.constant 0 : i32
      %dma_wait3A_35 = tpu.memref_slice %arg4[%arg0, %dma_wait3A_32, %dma_wait3A_33, %dma_wait3A_34] : memref<2x16x79x128xi32, #tpu.memory_space<hbm>> -> memref<1x16x79x128xi32, #tpu.memory_space<hbm>>
      %dma_wait3A_36 = tpu.memref_squeeze %dma_wait3A_35 : memref<1x16x79x128xi32, #tpu.memory_space<hbm>> -> memref<16x79x128xi32, #tpu.memory_space<hbm>>
      %dma_wait3A_37 = arith.constant 0 : i32
      %dma_wait3A_38 = arith.constant 0 : i32
      %dma_wait3A_39 = tpu.memref_slice %dma_wait3A_36[%arg1, %dma_wait3A_37, %dma_wait3A_38] : memref<16x79x128xi32, #tpu.memory_space<hbm>> -> memref<1x79x128xi32, #tpu.memory_space<hbm>>
      %dma_wait3A_40 = tpu.memref_squeeze %dma_wait3A_39 : memref<1x79x128xi32, #tpu.memory_space<hbm>> -> memref<79x128xi32, #tpu.memory_space<hbm>>
      tpu.wait_dma2 semaphore(%run_scoped3A : memref<!tpu.dma_semaphore, #tpu.memory_space<semaphore_mem>>) src(%dma_wait3A_40 : memref<79x128xi32, #tpu.memory_space<hbm>>) dst(%arg7 : memref<79x128xi32, #tpu.memory_space<vmem>>)
      tpu.yield
    }) : () -> ()
    %mul3A = arith.constant 640 : i32
    %mul3A_0 = arith.muli %arg1, %mul3A : i32
    "tpu.region"() ({
      %run_scoped3A = tpu.sem_alloc : memref<!tpu.dma_semaphore, #tpu.memory_space<semaphore_mem>>
      %dma_start3A = arith.constant 0 : i32
      %dma_start3A_7 = tpu.memref_slice %arg9[%mul3A_0, %dma_start3A] : memref<10240x128xf32, #tpu.memory_space<vmem_shared>> -> memref<640x128xf32, #tpu.memory_space<vmem_shared>>
      %dma_start3A_8 = arith.constant 0 : i32
      %dma_start3A_9 = tpu.memref_slice %arg2[%mul3A_0, %dma_start3A_8] : memref<10240x128xf32, #tpu.memory_space<hbm>> -> memref<640x128xf32, #tpu.memory_space<hbm>>
      tpu.enqueue_dma source(%dma_start3A_9 : memref<640x128xf32, #tpu.memory_space<hbm>>) target(%dma_start3A_7 : memref<640x128xf32, #tpu.memory_space<vmem_shared>>) target_semaphore(%run_scoped3A : memref<!tpu.dma_semaphore, #tpu.memory_space<semaphore_mem>>)
      %dma_wait3A = arith.constant 0 : i32
      %dma_wait3A_10 = tpu.memref_slice %arg9[%mul3A_0, %dma_wait3A] : memref<10240x128xf32, #tpu.memory_space<vmem_shared>> -> memref<640x128xf32, #tpu.memory_space<vmem_shared>>
      %dma_wait3A_11 = arith.constant 0 : i32
      %dma_wait3A_12 = tpu.memref_slice %arg2[%mul3A_0, %dma_wait3A_11] : memref<10240x128xf32, #tpu.memory_space<hbm>> -> memref<640x128xf32, #tpu.memory_space<hbm>>
      tpu.wait_dma2 semaphore(%run_scoped3A : memref<!tpu.dma_semaphore, #tpu.memory_space<semaphore_mem>>) src(%dma_wait3A_12 : memref<640x128xf32, #tpu.memory_space<hbm>>) dst(%dma_wait3A_10 : memref<640x128xf32, #tpu.memory_space<vmem_shared>>)
      tpu.yield
    }) : () -> ()
    %barrier3A = arith.constant 0 : index
    tpu.barrier barrier_id(%barrier3A)
    %scan3A = arith.constant 0 : i32
    %scan3A_1 = arith.constant 0 : i32
    %scan3A_2 = arith.constant 79 : i32
    %scan3A_3 = arith.addi %scan3A_1, %scan3A_2 : i32
    %scan3A_4 = arith.constant 1 : i32
    scf.for %scan3A_7 = %scan3A_1 to %scan3A_3 step %scan3A_4  : i32 {
      %dma_start3A = arith.constant 0 : i32
      %dma_start3A_8 = tpu.memref_slice %arg6[%scan3A_7, %dma_start3A] : memref<79x128xi32, #tpu.memory_space<vmem>> -> memref<1x128xi32, #tpu.memory_space<vmem>>
      %dma_start3A_9 = tpu.memref_squeeze %dma_start3A_8 : memref<1x128xi32, #tpu.memory_space<vmem>> -> memref<128xi32, #tpu.memory_space<vmem>>
      %dma_start3A_10 = arith.constant 0 : i32
      %dma_start3A_11 = arith.constant 0 : i32
      %dma_start3A_12 = tpu.memref_slice %arg2[%dma_start3A_10, %dma_start3A_11] : memref<10240x128xf32, #tpu.memory_space<hbm>> -> memref<10240x128xf32, #tpu.memory_space<hbm>>
      tpu.enqueue_indirect_dma source(%dma_start3A_12 : memref<10240x128xf32, #tpu.memory_space<hbm>>) target(%arg8 : memref<128x128xf32, #tpu.memory_space<vmem>>) offsets(%dma_start3A_9 : memref<128xi32, #tpu.memory_space<vmem>>) semaphore(%arg10 : memref<!tpu.dma_semaphore, #tpu.memory_space<semaphore_mem>>)
      %dma_wait3A = arith.constant 0 : i32
      %dma_wait3A_13 = tpu.memref_slice %arg6[%scan3A_7, %dma_wait3A] : memref<79x128xi32, #tpu.memory_space<vmem>> -> memref<1x128xi32, #tpu.memory_space<vmem>>
      %dma_wait3A_14 = tpu.memref_squeeze %dma_wait3A_13 : memref<1x128xi32, #tpu.memory_space<vmem>> -> memref<128xi32, #tpu.memory_space<vmem>>
      %dma_wait3A_15 = arith.constant 0 : i32
      %dma_wait3A_16 = arith.constant 0 : i32
      %dma_wait3A_17 = tpu.memref_slice %arg2[%dma_wait3A_15, %dma_wait3A_16] : memref<10240x128xf32, #tpu.memory_space<hbm>> -> memref<10240x128xf32, #tpu.memory_space<hbm>>
      tpu.wait_indirect_dma semaphore(%arg10 : memref<!tpu.dma_semaphore, #tpu.memory_space<semaphore_mem>>) src(%dma_wait3A_17 : memref<10240x128xf32, #tpu.memory_space<hbm>>) dst(%arg8 : memref<128x128xf32, #tpu.memory_space<vmem>>)
      "tpu.region"() ({
        %run_scoped3A = tpu.sem_alloc : memref<!tpu.dma_semaphore, #tpu.memory_space<semaphore_mem>>
        %dma_start3A_18 = arith.constant 0 : i32
        %dma_start3A_19 = tpu.memref_slice %arg7[%scan3A_7, %dma_start3A_18] : memref<79x128xi32, #tpu.memory_space<vmem>> -> memref<1x128xi32, #tpu.memory_space<vmem>>
        %dma_start3A_20 = tpu.memref_squeeze %dma_start3A_19 : memref<1x128xi32, #tpu.memory_space<vmem>> -> memref<128xi32, #tpu.memory_space<vmem>>
        %dma_start3A_21 = arith.constant 0 : i32
        %dma_start3A_22 = arith.constant 0 : i32
        %dma_start3A_23 = tpu.memref_slice %arg9[%dma_start3A_21, %dma_start3A_22] : memref<10240x128xf32, #tpu.memory_space<vmem_shared>> -> memref<10240x128xf32, #tpu.memory_space<vmem_shared>>
        tpu.enqueue_indirect_dma source(%arg8 : memref<128x128xf32, #tpu.memory_space<vmem>>) target(%dma_start3A_23 : memref<10240x128xf32, #tpu.memory_space<vmem_shared>>) offsets(%dma_start3A_20 : memref<128xi32, #tpu.memory_space<vmem>>) semaphore(%run_scoped3A : memref<!tpu.dma_semaphore, #tpu.memory_space<semaphore_mem>>) {add = true}
        %dma_wait3A_24 = arith.constant 0 : i32
        %dma_wait3A_25 = tpu.memref_slice %arg7[%scan3A_7, %dma_wait3A_24] : memref<79x128xi32, #tpu.memory_space<vmem>> -> memref<1x128xi32, #tpu.memory_space<vmem>>
        %dma_wait3A_26 = tpu.memref_squeeze %dma_wait3A_25 : memref<1x128xi32, #tpu.memory_space<vmem>> -> memref<128xi32, #tpu.memory_space<vmem>>
        %dma_wait3A_27 = arith.constant 0 : i32
        %dma_wait3A_28 = arith.constant 0 : i32
        %dma_wait3A_29 = tpu.memref_slice %arg9[%dma_wait3A_27, %dma_wait3A_28] : memref<10240x128xf32, #tpu.memory_space<vmem_shared>> -> memref<10240x128xf32, #tpu.memory_space<vmem_shared>>
        tpu.wait_indirect_dma semaphore(%run_scoped3A : memref<!tpu.dma_semaphore, #tpu.memory_space<semaphore_mem>>) src(%arg8 : memref<128x128xf32, #tpu.memory_space<vmem>>) dst(%dma_wait3A_29 : memref<10240x128xf32, #tpu.memory_space<vmem_shared>>)
        tpu.yield
      }) : () -> ()
    }
    %scan3A_5 = arith.constant 79 : i32
    %barrier3A_6 = arith.constant 0 : index
    tpu.barrier barrier_id(%barrier3A_6)
    "tpu.region"() ({
      %run_scoped3A = tpu.sem_alloc : memref<!tpu.dma_semaphore, #tpu.memory_space<semaphore_mem>>
      %dma_start3A = arith.constant 0 : i32
      %dma_start3A_7 = arith.constant 0 : i32
      %dma_start3A_8 = tpu.memref_slice %arg5[%arg0, %dma_start3A, %dma_start3A_7] : memref<2x10240x128xf32, #tpu.memory_space<hbm>> -> memref<1x10240x128xf32, #tpu.memory_space<hbm>>
      %dma_start3A_9 = tpu.memref_squeeze %dma_start3A_8 : memref<1x10240x128xf32, #tpu.memory_space<hbm>> -> memref<10240x128xf32, #tpu.memory_space<hbm>>
      %dma_start3A_10 = arith.constant 0 : i32
      %dma_start3A_11 = tpu.memref_slice %dma_start3A_9[%mul3A_0, %dma_start3A_10] : memref<10240x128xf32, #tpu.memory_space<hbm>> -> memref<640x128xf32, #tpu.memory_space<hbm>>
      %dma_start3A_12 = arith.constant 0 : i32
      %dma_start3A_13 = tpu.memref_slice %arg9[%mul3A_0, %dma_start3A_12] : memref<10240x128xf32, #tpu.memory_space<vmem_shared>> -> memref<640x128xf32, #tpu.memory_space<vmem_shared>>
      tpu.enqueue_dma source(%dma_start3A_13 : memref<640x128xf32, #tpu.memory_space<vmem_shared>>) target(%dma_start3A_11 : memref<640x128xf32, #tpu.memory_space<hbm>>) target_semaphore(%run_scoped3A : memref<!tpu.dma_semaphore, #tpu.memory_space<semaphore_mem>>)
      %dma_wait3A = arith.constant 0 : i32
      %dma_wait3A_14 = arith.constant 0 : i32
      %dma_wait3A_15 = tpu.memref_slice %arg5[%arg0, %dma_wait3A, %dma_wait3A_14] : memref<2x10240x128xf32, #tpu.memory_space<hbm>> -> memref<1x10240x128xf32, #tpu.memory_space<hbm>>
      %dma_wait3A_16 = tpu.memref_squeeze %dma_wait3A_15 : memref<1x10240x128xf32, #tpu.memory_space<hbm>> -> memref<10240x128xf32, #tpu.memory_space<hbm>>
      %dma_wait3A_17 = arith.constant 0 : i32
      %dma_wait3A_18 = tpu.memref_slice %dma_wait3A_16[%mul3A_0, %dma_wait3A_17] : memref<10240x128xf32, #tpu.memory_space<hbm>> -> memref<640x128xf32, #tpu.memory_space<hbm>>
      %dma_wait3A_19 = arith.constant 0 : i32
      %dma_wait3A_20 = tpu.memref_slice %arg9[%mul3A_0, %dma_wait3A_19] : memref<10240x128xf32, #tpu.memory_space<vmem_shared>> -> memref<640x128xf32, #tpu.memory_space<vmem_shared>>
      tpu.wait_dma2 semaphore(%run_scoped3A : memref<!tpu.dma_semaphore, #tpu.memory_space<semaphore_mem>>) src(%dma_wait3A_20 : memref<640x128xf32, #tpu.memory_space<vmem_shared>>) dst(%dma_wait3A_18 : memref<640x128xf32, #tpu.memory_space<hbm>>)
      tpu.yield
    }) : () -> ()
    return
  }
}

module attributes {stable_mosaic.version = 14 : i64} {
  func.func @_mm_body(%arg0: i32, %arg1: memref<1024x128xf32, #tpu.memory_space<vmem>>, %arg2: memref<128x128xf32, #tpu.memory_space<vmem>>, %arg3: memref<1x1x1024xf32, #tpu.memory_space<vmem>>, %arg4: memref<1x1x1024xf32, #tpu.memory_space<vmem>>, %arg5: memref<1024x128xf32, #tpu.memory_space<vmem>>, %arg6: memref<1x1x1024xf32, #tpu.memory_space<vmem>>) attributes {dimension_semantics = [#tpu.dimension_semantics<arbitrary>], iteration_bounds = array<i64: 10>, scalar_prefetch = 0 : i64, scratch_operands = 0 : i64, tpu.core_type = #tpu.core_type<tc>, window_params = [{transform_indices = @transform_0, window_bounds = array<i64: 1024, 128>}, {pipeline_mode = #tpu.pipeline_mode<synchronous>, transform_indices = @transform_1, window_bounds = array<i64: 128, 128>}, {transform_indices = @transform_2, window_bounds = array<i64: 1, 1, 1024>}, {transform_indices = @transform_3, window_bounds = array<i64: 1, 1, 1024>}, {transform_indices = @transform_4, window_bounds = array<i64: 1024, 128>}, {transform_indices = @transform_5, window_bounds = array<i64: 1, 1, 1024>}]} {
    %get3A = arith.constant 0 : index
    %get3A_0 = arith.constant 0 : index
    %get3A_1 = arith.constant 0 : index
    %get3A_2 = vector.load %arg3[%get3A, %get3A_0, %get3A_1] : memref<1x1x1024xf32, #tpu.memory_space<vmem>>, vector<1x1x1024xf32>
    %get3A_3 = vector.shape_cast %get3A_2 : vector<1x1x1024xf32> to vector<1024xf32>
    %get3A_4 = arith.constant 0 : index
    %get3A_5 = arith.constant 0 : index
    %get3A_6 = arith.constant 0 : index
    %get3A_7 = vector.load %arg4[%get3A_4, %get3A_5, %get3A_6] : memref<1x1x1024xf32, #tpu.memory_space<vmem>>, vector<1x1x1024xf32>
    %get3A_8 = vector.shape_cast %get3A_7 : vector<1x1x1024xf32> to vector<1024xf32>
    %add3A = arith.addf %get3A_3, %get3A_8 : vector<1024xf32>
    %add3A_9 = arith.constant 1.000000e+00 : f32
    %add3A_10 = vector.broadcast %add3A_9 : f32 to vector<1024xf32>
    %add3A_11 = arith.addf %add3A, %add3A_10 : vector<1024xf32>
    %rsqrt3A = math.rsqrt %add3A_11 : vector<1024xf32>
    %get3A_12 = arith.constant 0 : index
    %get3A_13 = arith.constant 0 : index
    %get3A_14 = vector.load %arg1[%get3A_12, %get3A_13] : memref<1024x128xf32, #tpu.memory_space<vmem>>, vector<1024x128xf32>
    %get3A_15 = arith.constant 0 : index
    %get3A_16 = arith.constant 0 : index
    %get3A_17 = vector.load %arg2[%get3A_15, %get3A_16] : memref<128x128xf32, #tpu.memory_space<vmem>>, vector<128x128xf32>
    %dot_general3A = arith.constant dense<0.000000e+00> : vector<1024x128xf32>
    %dot_general3A_18 = tpu.matmul %get3A_14, %get3A_17, %dot_general3A {dimension_numbers = #tpu.dot_dimension_numbers<[1], [0], [0], [1], [0, 0, 1, 1], [], []>, transpose_lhs_hint = false} : vector<1024x128xf32>, vector<128x128xf32>, vector<1024x128xf32> -> vector<1024x128xf32>
    %broadcast_in_dim3A = vector.shape_cast %rsqrt3A : vector<1024xf32> to vector<1024x1xf32>
    %mul3A = vector.broadcast %broadcast_in_dim3A : vector<1024x1xf32> to vector<1024x128xf32>
    %mul3A_19 = arith.mulf %dot_general3A_18, %mul3A : vector<1024x128xf32>
    %swap3A = arith.constant 0 : index
    %swap3A_20 = arith.constant 0 : index
    %swap3A_21 = vector.load %arg5[%swap3A, %swap3A_20] : memref<1024x128xf32, #tpu.memory_space<vmem>>, vector<1024x128xf32>
    tpu.vector_store %arg5[%swap3A, %swap3A_20], %mul3A_19 {strides = array<i32>} : memref<1024x128xf32, #tpu.memory_space<vmem>>, vector<1024x128xf32>,
    %swap3A_22 = arith.constant 0 : index
    %swap3A_23 = arith.constant 0 : index
    %swap3A_24 = arith.constant 0 : index
    %swap3A_25 = vector.load %arg6[%swap3A_22, %swap3A_23, %swap3A_24] : memref<1x1x1024xf32, #tpu.memory_space<vmem>>, vector<1x1x1024xf32>
    %swap3A_26 = vector.shape_cast %swap3A_25 : vector<1x1x1024xf32> to vector<1024xf32>
    %swap3A_27 = vector.shape_cast %rsqrt3A : vector<1024xf32> to vector<1x1x1024xf32>
    tpu.vector_store %arg6[%swap3A_22, %swap3A_23, %swap3A_24], %swap3A_27 {strides = array<i32>} : memref<1x1x1024xf32, #tpu.memory_space<vmem>>, vector<1x1x1024xf32>,
    return
  }
  func.func @transform_0(%arg0: i32) -> (i32, i32) {
    %c0_i32 = arith.constant 0 : i32
    %c0_i32_0 = arith.constant 0 : i32
    return %arg0, %c0_i32 : i32, i32
  }
  func.func @transform_1(%arg0: i32) -> (i32, i32) {
    %c0_i32 = arith.constant 0 : i32
    %c0_i32_0 = arith.constant 0 : i32
    %c0_i32_1 = arith.constant 0 : i32
    return %c0_i32, %c0_i32_0 : i32, i32
  }
  func.func @transform_2(%arg0: i32) -> (i32, i32, i32) {
    %c0_i32 = arith.constant 0 : i32
    %c0_i32_0 = arith.constant 0 : i32
    %c0_i32_1 = arith.constant 0 : i32
    return %arg0, %c0_i32, %c0_i32_0 : i32, i32, i32
  }
  func.func @transform_3(%arg0: i32) -> (i32, i32, i32) {
    %c0_i32 = arith.constant 0 : i32
    %c0_i32_0 = arith.constant 0 : i32
    %c0_i32_1 = arith.constant 0 : i32
    return %arg0, %c0_i32, %c0_i32_0 : i32, i32, i32
  }
  func.func @transform_4(%arg0: i32) -> (i32, i32) {
    %c0_i32 = arith.constant 0 : i32
    %c0_i32_0 = arith.constant 0 : i32
    return %arg0, %c0_i32 : i32, i32
  }
  func.func @transform_5(%arg0: i32) -> (i32, i32, i32) {
    %c0_i32 = arith.constant 0 : i32
    %c0_i32_0 = arith.constant 0 : i32
    %c0_i32_1 = arith.constant 0 : i32
    return %arg0, %c0_i32, %c0_i32_0 : i32, i32, i32
  }
}

module attributes {stable_mosaic.version = 14 : i64} {
  func.func @_ep_body(%arg0: i32, %arg1: memref<2x1024x128xf32, #tpu.memory_space<vmem>>, %arg2: memref<1024x128xf32, #tpu.memory_space<vmem>>, %arg3: memref<1x1x1024xf32, #tpu.memory_space<vmem>>, %arg4: memref<128xf32, #tpu.memory_space<vmem>>, %arg5: memref<1024x128xf32, #tpu.memory_space<vmem>>) attributes {dimension_semantics = [#tpu.dimension_semantics<arbitrary>], iteration_bounds = array<i64: 10>, scalar_prefetch = 0 : i64, scratch_operands = 0 : i64, tpu.core_type = #tpu.core_type<tc>, window_params = [{transform_indices = @transform_0, window_bounds = array<i64: 2, 1024, 128>}, {transform_indices = @transform_1, window_bounds = array<i64: 1024, 128>}, {transform_indices = @transform_2, window_bounds = array<i64: 1, 1, 1024>}, {pipeline_mode = #tpu.pipeline_mode<synchronous>, transform_indices = @transform_3, window_bounds = array<i64: 128>}, {transform_indices = @transform_4, window_bounds = array<i64: 1024, 128>}]} {
    %get3A = arith.constant 0 : index
    %get3A_0 = arith.constant 0 : index
    %get3A_1 = arith.constant 0 : index
    %get3A_2 = vector.load %arg1[%get3A, %get3A_0, %get3A_1] : memref<2x1024x128xf32, #tpu.memory_space<vmem>>, vector<1x1024x128xf32>
    %get3A_3 = vector.shape_cast %get3A_2 : vector<1x1024x128xf32> to vector<1024x128xf32>
    %get3A_4 = arith.constant 1 : index
    %get3A_5 = arith.constant 0 : index
    %get3A_6 = arith.constant 0 : index
    %get3A_7 = vector.load %arg1[%get3A_4, %get3A_5, %get3A_6] : memref<2x1024x128xf32, #tpu.memory_space<vmem>>, vector<1x1024x128xf32>
    %get3A_8 = vector.shape_cast %get3A_7 : vector<1x1024x128xf32> to vector<1024x128xf32>
    %add3A = arith.addf %get3A_3, %get3A_8 : vector<1024x128xf32>
    %get3A_9 = arith.constant 0 : index
    %get3A_10 = arith.constant 0 : index
    %get3A_11 = vector.load %arg2[%get3A_9, %get3A_10] : memref<1024x128xf32, #tpu.memory_space<vmem>>, vector<1024x128xf32>
    %sub3A = arith.subf %add3A, %get3A_11 : vector<1024x128xf32>
    %get3A_12 = arith.constant 0 : index
    %get3A_13 = arith.constant 0 : index
    %get3A_14 = arith.constant 0 : index
    %get3A_15 = vector.load %arg3[%get3A_12, %get3A_13, %get3A_14] : memref<1x1x1024xf32, #tpu.memory_space<vmem>>, vector<1x1x1024xf32>
    %get3A_16 = vector.shape_cast %get3A_15 : vector<1x1x1024xf32> to vector<1024xf32>
    %broadcast_in_dim3A = vector.shape_cast %get3A_16 : vector<1024xf32> to vector<1024x1xf32>
    %mul3A = vector.broadcast %broadcast_in_dim3A : vector<1024x1xf32> to vector<1024x128xf32>
    %mul3A_17 = arith.mulf %sub3A, %mul3A : vector<1024x128xf32>
    %get3A_18 = arith.constant 0 : index
    %get3A_19 = vector.load %arg4[%get3A_18] : memref<128xf32, #tpu.memory_space<vmem>>, vector<128xf32>
    %broadcast_in_dim3A_20 = vector.shape_cast %get3A_19 : vector<128xf32> to vector<1x128xf32>
    %add3A_21 = vector.broadcast %broadcast_in_dim3A_20 : vector<1x128xf32> to vector<1024x128xf32>
    %add3A_22 = arith.addf %mul3A_17, %add3A_21 : vector<1024x128xf32>
    %swap3A = arith.constant 0 : index
    %swap3A_23 = arith.constant 0 : index
    %swap3A_24 = vector.load %arg5[%swap3A, %swap3A_23] : memref<1024x128xf32, #tpu.memory_space<vmem>>, vector<1024x128xf32>
    tpu.vector_store %arg5[%swap3A, %swap3A_23], %add3A_22 {strides = array<i32>} : memref<1024x128xf32, #tpu.memory_space<vmem>>, vector<1024x128xf32>,
    return
  }
  func.func @transform_0(%arg0: i32) -> (i32, i32, i32) {
    %c0_i32 = arith.constant 0 : i32
    %c0_i32_0 = arith.constant 0 : i32
    %c0_i32_1 = arith.constant 0 : i32
    return %c0_i32, %arg0, %c0_i32_0 : i32, i32, i32
  }
  func.func @transform_1(%arg0: i32) -> (i32, i32) {
    %c0_i32 = arith.constant 0 : i32
    %c0_i32_0 = arith.constant 0 : i32
    return %arg0, %c0_i32 : i32, i32
  }
  func.func @transform_2(%arg0: i32) -> (i32, i32, i32) {
    %c0_i32 = arith.constant 0 : i32
    %c0_i32_0 = arith.constant 0 : i32
    %c0_i32_1 = arith.constant 0 : i32
    return %arg0, %c0_i32, %c0_i32_0 : i32, i32, i32
  }
  func.func @transform_3(%arg0: i32) -> i32 {
    %c0_i32 = arith.constant 0 : i32
    %c0_i32_0 = arith.constant 0 : i32
    return %c0_i32 : i32
  }
  func.func @transform_4(%arg0: i32) -> (i32, i32) {
    %c0_i32 = arith.constant 0 : i32
    %c0_i32_0 = arith.constant 0 : i32
    return %arg0, %c0_i32 : i32, i32
  }
}

</mosaic_0001>

<sc_bundles>
// kernel: kernel.6.cloned.1.call-start
scs
__scs_entry_jumppad:
0x0: {  	(pc) =	sbr.rel $0x88, $3  }
0x1: {  	(tag) =	ssettag $0x0;
	lr =	simm.s32 $0x1  }
0x2: {  	[smem:$0x3F9D] =	sst lr;
	_ =	strace $0xD0000000  }
0x3: {  	_ = 	snop  }
0x4: {  	_ = 	snop  }
0x5: {  	_ = 	snop  }
0x6: {  	_ = 	snop  }
0x7: {  	_ = 	snop  }
__scs_overlays_trampoline_lowered:
0x8: {  	[smem:$0x3FAC] =	sst s0  }
0x9: {  	[smem:$0x3FAD] =	sst s1  }
0xa: {  	[smem:$0x3FAE] =	sst s2  }
0xb: {  	[smem:$0x3FAF] =	sst s3  }
0xc: {  	[smem:$0x3FB0] =	sst s4  }
0xd: {  	[smem:$0x3FB1] =	sst s5  }
0xe: {  	[smem:$0x3FB2] =	sst s6  }
0xf: {  	[smem:$0x3FB3] =	sst s7  }
0x10: {  	[smem:$0x3FB4] =	sst s8  }
0x11: {  	[smem:$0x3FB5] =	sst s9;
	s0 =	simm.s32 @!p0 $0x0  }
0x12: {  	s1 =	sld [smem:$0x3F9B];
	s0 =	simm.s32 @p0 $0x1  }
0x13: {  	[smem:$0x3FB6] =	sst s0;
	s0 =	simm.s32 @!p1 $0x0  }
0x14: {  	s2 =	sld [smem:$0x3F9A];
	s0 =	simm.s32 @p1 $0x1  }
0x15: {  	[smem:$0x3FB7] =	sst s0;
	s0 =	simm.s32 @!p2 $0x0  }
0x16: {  	s3 =	sld [smem:$0x3FDB];
	s0 =	simm.s32 @p2 $0x1  }
0x17: {  	s4 =	simm.s32 $0x1BF5;
	[smem:$0x3FB9] =	sst s0  }
0x18: {  	s0 =	sld [smem:$0x3F9C];
	_ =	swait.ge [sflag:s4], $0x0  }
0x19: {  	s7 =	sld [smem:$0x3F9D]  }
0x1a: {  	s8 =	sadd.s32 $0xFFFFE003, lr  }
0x1b: {  	s9 =	sadd.s32 $0xFFFFFEF7, lr;
	s5 =	simm.s32 $0xFFFFFFFF;
	p2 =	slt.u32 s8, $0xFFFFF086  }
0x1c: {  	p1 =	slt.u32 s9, $0xF7A;
	s5 =	simm.s32 @!p2 $0x0  }
0x1d: {  	s5 =	simm.s32 @p1 $0x1;
	p0 =	seq.s32 s7, s2  }
0x1e: {  	s7 =	smul.u32 @!p0 $0xF7A, s2;
	p2 =	seq.s32 @!p0 s5, $0x0  }
0x1f: {  	s9 =	smul.u32 $0xF7A, s1;
	s8 =	simm.s32 @!p0 $0x1BF5;
	p2 =	por !p2, p0  }
0x20: {  	[sflag:s8] =	ssyncset.s32 @!p0 $0xFFFFF086;
	s6 =	sadd.s32 @!p0 s3, s7;
	s7 =	simm.s32 @!p0 $0x108  }
0x21: {  	s3 =	sadd.s32 s3, s9;
	s6 =	sadd.s32 @!p0 $0x88, s6;
	s7 =	simm.s32 @p2 $0x1082  }
0x22: {  	[simem:s7], [sflag:s8] =	dma.local @!p0 [hbm:s6], $0xF7A  }
0x23: {  	s9 =	sor.u32 $0xD0000000, s2;
	s6 =	simm.s32 $0x108;
	_ =	swait.ge @!p0 [sflag:s8], $0x0  }
0x24: {  	s3 =	sadd.s32 $0x88, s3;
	s6 =	simm.s32 @!p1 $0x1082;
	[sflag:s4] =	ssyncset.s32 $0xFFFFF086  }
0x25: {  	[simem:s6], [sflag:s4] =	dma.local [hbm:s3], $0xF7A  }
0x26: {  	[smem:$0x3F9D] =	sst s1;
	(tag) =	ssettag s2;
	_ =	strace s9  }
0x27: {  	s1 =	sld [smem:$0x3FAD]  }
0x28: {  	s2 =	sld [smem:$0x3FAE]  }
0x29: {  	s4 =	sld [smem:$0x3FB0]  }
0x2a: {  	p0 =	seq.s32 s5, $0x0;
	s5 =	sld [smem:$0x3FB1]  }
0x2b: {  	s6 =	sld [smem:$0x3FB2]  }
0x2c: {  	s7 =	sld [smem:$0x3FB3]  }
0x2d: {  	s3 =	simm.s32 $0x108;
	s8 =	sld [smem:$0x3FB4]  }
0x2e: {  	s3 =	simm.s32 @!p0 $0x1082;
	s9 =	sld [smem:$0x3FB5]  }
0x2f: {  	lr =	sadd.s32 s0, s3;
	s0 =	sld [smem:$0x3FAC]  }
0x30: {  	s3 =	sld [smem:$0x3FAF]  }
0x31: {  	[smem:$0x3FB8] =	sst s10  }
0x32: {  	s10 =	sld [smem:$0x3FB6];
	_ =	sdelay $0x3  }
0x33: {  	p0 =	seq.s32 s10, $0x1;
	s10 =	sld [smem:$0x3FB8];
	_ =	sdelay $0x3  }
0x34: {  	[smem:$0x3FB8] =	sst s10  }
0x35: {  	s10 =	sld [smem:$0x3FB7];
	_ =	sdelay $0x3  }
0x36: {  	p1 =	seq.s32 s10, $0x1;
	s10 =	sld [smem:$0x3FB8];
	_ =	sdelay $0x3  }
0x37: {  	[smem:$0x3FB8] =	sst s10  }
0x38: {  	s10 =	sld [smem:$0x3FB9]  }
0x39: {  	_ = 	snop;
	(pc) =	sbr.ind lr, $3  }
0x3a: {  	_ = 	snop  }
0x3b: {  	_ = 	snop  }
0x3c: {  	p2 =	seq.s32 s10, $0x1;
	s10 =	sld [smem:$0x3FB8]  }
0x3d: {  	_ =	shalt  }
0x3e: {  	_ =	shalt  }
0x3f: {  	_ =	shalt  }
0x40: {  	_ =	shalt  }
0x41: {  	_ =	shalt  }
0x42: {  	_ =	shalt  }
0x43: {  	_ =	shalt  }
0x44: {  	_ =	shalt  }
0x45: {  	_ =	shalt  }
0x46: {  	_ =	shalt  }
0x47: {  	_ =	shalt  }
0x48: {  	_ =	shalt  }
0x49: {  	_ =	shalt  }
0x4a: {  	_ =	shalt  }
0x4b: {  	_ =	shalt  }
0x4c: {  	_ =	shalt  }
0x4d: {  	_ =	shalt  }
0x4e: {  	_ =	shalt  }
0x4f: {  	_ =	shalt  }
0x50: {  	_ =	shalt  }
0x51: {  	_ =	shalt  }
0x52: {  	_ =	shalt  }
0x53: {  	_ =	shalt  }
0x54: {  	_ =	shalt  }
0x55: {  	_ =	shalt  }
0x56: {  	_ =	shalt  }
0x57: {  	_ =	shalt  }
0x58: {  	_ =	shalt  }
0x59: {  	_ =	shalt  }
0x5a: {  	_ =	shalt  }
0x5b: {  	_ =	shalt  }
0x5c: {  	_ =	shalt  }
0x5d: {  	_ =	shalt  }
0x5e: {  	_ =	shalt  }
0x5f: {  	_ =	shalt  }
0x60: {  	_ =	shalt  }
0x61: {  	_ =	shalt  }
0x62: {  	_ =	shalt  }
0x63: {  	_ =	shalt  }
0x64: {  	_ =	shalt  }
0x65: {  	_ =	shalt  }
0x66: {  	_ =	shalt  }
0x67: {  	_ =	shalt  }
0x68: {  	_ =	shalt  }
0x69: {  	_ =	shalt  }
0x6a: {  	_ =	shalt  }
0x6b: {  	_ =	shalt  }
0x6c: {  	_ =	shalt  }
0x6d: {  	_ =	shalt  }
0x6e: {  	_ =	shalt  }
0x6f: {  	_ =	shalt  }
0x70: {  	_ =	shalt  }
0x71: {  	_ =	shalt  }
0x72: {  	_ =	shalt  }
0x73: {  	_ =	shalt  }
0x74: {  	_ =	shalt  }
0x75: {  	_ =	shalt  }
0x76: {  	_ =	shalt  }
0x77: {  	_ =	shalt  }
0x78: {  	_ =	shalt  }
0x79: {  	_ =	shalt  }
0x7a: {  	_ =	shalt  }
0x7b: {  	_ =	shalt  }
0x7c: {  	_ =	shalt  }
0x7d: {  	_ =	shalt  }
0x7e: {  	_ =	shalt  }
0x7f: {  	_ =	shalt  }
0x80: {  	_ =	shalt  }
0x81: {  	_ =	shalt  }
0x82: {  	_ =	shalt  }
0x83: {  	_ =	shalt  }
0x84: {  	_ =	shalt  }
0x85: {  	_ =	shalt  }
0x86: {  	_ =	shalt  }
0x87: {  	_ =	shalt  }
.Lfunc_end0:
.L_simem_size_0:
called_computation_lowered:
.L_overlay_start_0:
0x88: {  	s2 =	sld [smem:$0x3FD9]  }
0x89: {  	s3 =	sld [smem:$0x3FFE];
	_ =	sdelay $0x1  }
0x8a: {  	s1 =	srdreg.scid  }
0x8b: {  	s0 =	sand.u32 $0x1, s1  }
0x8c: {  	s17 =	sshll.u32 s0, $0xA;
	s2 =	sadd.s32 s3, s2  }
0x8d: {  	s2 =	sadd.s32 s2, s17  }
0x8e: {  	[smem:$0x3FC4] =	sst s2  }
0x8f: {  	_ = 	snop  }
0x90: {  	s2 =	sld [smem:$0x3FD0];
	(tm) =	ssettm $0x1  }
0x91: {  	s18 =	sld [smem:$0x3FFB];
	_ =	sdelay $0x3  }
0x92: {  	_ =	strace s18  }
0x93: {  	s3 =	sld [smem:$0x3FFC];
	_ =	sdelay $0x3  }
0x94: {  	_ =	strace s3  }
0x95: {  	s3 =	sld [smem:$0x3FFD];
	_ =	sdelay $0x3  }
0x96: {  	_ =	strace s3  }
0x97: {  	_ =	strace $0x8FFFFFFF  }
0x98: {  	s19 =	sld [smem:$0x3FDB];
	_ =	sdelay $0x1  }
0x99: {  	s4 =	simm.s32 $_scs_section_size  }
0x9a: {  	s5 =	simm.s32 $_size__tile_overlayer_lowered;
	s6 =	simm.s32 $_tile_overlayer_lowered  }
0x9b: {  	s22 =	simm.s32 $0x1BFF;
	s21 =	sshll.u32 s6, $0x1;
	s3 =	sadd.s32 s4, s19  }
0x9c: {  	s7 =	simm.s32 $0x0;
	s20 =	sshll.u32 s5, $0x1;
	s5 =	sadd.s32 s21, s3  }
0x9d: {  	[timem:s7], [sflag:s22] =	dma.local [hbm:s5], s20  }
0x9e: {  	_ =	swait.ge [sflag:s22], s20  }
0x9f: {  	s4 =	ssub.s32 $0x0, s20;
	[sflag:s22] =	ssyncset.done $0x0  }
0xa0: {  	[sflag:s22] =	ssyncadd.s32 s4;
	_ =	sdelay $0x1  }
0xa1: {  	s23 =	simm.s32 $0x1B8B  }
0xa2: {  	_ =	swait.ge [sflag:s23], $0x1  }
0xa3: {  	[sflag:s23] =	ssyncset.done $0x0  }
0xa4: {  	s25 =	simm.s32 $0x1B8E;
	s24 =	sld [smem:$0x3FFE];
	[sflag:s23] =	ssyncadd.s32 $0xFFFFFFFF  }
0xa5: {  	s26 =	simm.s32 $execute0_lowered;
	[smem:$0x3FD2] =	sst s25  }
0xa6: {  	s5 =	sshll.u32 s26, $0x1;
	_ =	strace $0x80000046;
	[dreg:$0x1] =	wrdreg $0xFFFFFFFF  }
0xa7: {  	s28 =	simm.s32 $_size_execute0_lowered;
	s3 =	sadd.s32 s3, s5;
	[dreg:$0x0] =	wrdreg $0x0  }
0xa8: {  	s5 =	sshll.u32 s28, $0x1;
	[dreg:$0x2] =	wrdreg s3  }
0xa9: {  	[dreg:$0x3] =	wrdreg s5  }
0xaa: {  	[dreg:$0x4] =	wrdreg $0xC0  }
0xab: {  	_ =	task [dreg:s7], $0x5FFFF  }
0xac: {  	[dreg:$0x1] =	wrdreg $0xFFFFFFFF  }
0xad: {  	[dreg:$0x0] =	wrdreg $0x60  }
0xae: {  	[dreg:$0x2] =	wrdreg s2  }
0xaf: {  	[dreg:$0x3] =	wrdreg s24  }
0xb0: {  	[dreg:$0x4] =	wrdreg $0x2B000  }
0xb1: {  	[dreg:$0x5] =	wrdreg $0x9  }
0xb2: {  	_ =	task.clear_ibuf [dreg:s7], $0x6FFFF;
	_ =	strace $0x90000046  }
0xb3: {  	s29 =	simm.s32 $0x9;
	_ =	strace $0x80000048  }
0xb4: {  	_ =	swait.ge [sflag:s29], $0x1  }
0xb5: {  	[sflag:s29] =	ssyncadd.s32 $0xFFFFFFFF  }
0xb6: {  	_ =	strace $0x90000048  }
0xb7: {  	_ =	sfence  }
0xb8: {  	s30 =	sld [smem:$0x0];
	_ =	sdelay $0x2  }
0xb9: {  	s31 =	sshll.u32 s1, $0xD;
	s1 =	sshrl.u32 s1, $0x2  }
0xba: {  	s3 =	sand.u32 $0x4000, s31;
	s1 =	sadd.s32 s1, s30  }
0xbb: {  	s0 =	sor.u32 s3, s0;
	s1 =	sshll.u32 s1, $0x11  }
0xbc: {  	s0 =	sor.u32 s1, s0  }
0xbd: {  	s0 =	sadd.s32 $0x8F2B, s0  }
0xbe: {  	[sflag:s0] =	ssyncadd.remote.s32 $0x1  }
0xbf: {  	_ =	sfence.sel $0xFFFF  }
0xc0: {  	[dreg:$0x0] =	wrdreg $0xFFFFFFFF;
	(pc) =	sbr.abs _section_cstart, $3  }
0xc1: {  	[dreg:$0x1] =	wrdreg $0xFFFFFFFF  }
0xc2: {  	_ =	task.clear_ibuf [dreg:s7], $0x2FFFF;
	_ =	strace $0x9FFFFFFF  }
0xc3: {  	(tm) =	ssettm $0x7FFFFFFF  }
tec
execute0_lowered:
.L_overlay_start_1:
0x0: {  	(tag) =	ssettag $0x1  }
0x1: {  	s5 =	rddreg [dreg:$0x0]  }
0x2: {  	s4 =	rddreg [dreg:$0x1]  }
0x3: {  	s1 =	rddreg [dreg:$0x2]  }
0x4: {  	s0 =	rddreg [dreg:$0x3];
	s3 =	simm.s32 $0x0;
	s2 =	srdreg.scid  }
0x5: {  	s14 =	simm.s32 $0x20;
	s6 =	sand.u32 $0x1, s2;
	s2 =	stileid.u32  }
0x6: {  	s15 =	simm.s32 $0x10;
	[smem:$0x7FF] =	sst s3;
	s8 =	smul.u32 $0xA00, s2  }
0x7: {  	s7 =	ssub.s32 $0x2, s6;
	s9 =	sshll.u32 s6, $0x4;
	s6 =	smul.u32 $0x5000, s6  }
0x8: {  	s16 =	simm.s32 $0x0;
	_ =	strace $0x80000047;
	s31 =	smul.u32 $0x500, s2  }
0x9: {  	s12 =	smul.u32 $0xA0, s2;
	s13 =	sshll.u32 s2, $0x6;
	s10 =	sshrl.u32 s7, $0x1  }
0xa: {  	s9 =	sadd.s32 s9, s4;
	s7 =	ssub.s32 s7, s10;
	s29 =	sshrl.u32 s8, $0x2  }
0xb: {  	s30 =	sadd.s32 s5, s6;
	s11 =	sadd.s32 $0x1C00, s9;
	s6 =	simm.s32 $0x2880  }
0xc: {  	s9 =	simm.s32 $0x80;
	s10 =	simm.s32 $0x2800;
	s4 =	sadd.s32 s29, s1  }
0xd: {  	s5 =	smax.u32 s7, $0x1;
	s7 =	simm.s32 $0x1;
	s8 =	sadd.s32 s31, s30  }
0xe: {  	v0 =	vimm.f32 $0.0e+00;
	v1 =	vimm.f32 $1.000000000e+00;
	s11 =	sadd.s32 s12, s11;
	s12 =	sor.u32 $0x1C01, s13;
	s13 =	sshrl.u32 s4, $0x3  }
.LBB2_1:
0xf: {  	[tilespmem:$0x2880] =	vst v0  }
0x10: {  	[tilespmem:$0x2890] =	vst v0  }
0x11: {  	[tilespmem:$0x28A0] =	vst v0  }
0x12: {  	[tilespmem:$0x28B0] =	vst v0  }
0x13: {  	[tilespmem:$0x28C0] =	vst v0  }
0x14: {  	[tilespmem:$0x28D0] =	vst v0  }
0x15: {  	[tilespmem:$0x28E0] =	vst v0  }
0x16: {  	[tilespmem:$0x28F0] =	vst v0  }
0x17: {  	[tilespmem:$0x2900] =	vst v0  }
0x18: {  	[tilespmem:$0x2910] =	vst v0  }
0x19: {  	[tilespmem:$0x2920] =	vst v0  }
0x1a: {  	[tilespmem:$0x2930] =	vst v0  }
0x1b: {  	[tilespmem:$0x2940] =	vst v0  }
0x1c: {  	[tilespmem:$0x2950] =	vst v0  }
0x1d: {  	[tilespmem:$0x2960] =	vst v0  }
0x1e: {  	[tilespmem:$0x2970] =	vst v0  }
0x1f: {  	[tilespmem:$0x2980] =	vst v0  }
0x20: {  	[tilespmem:$0x2990] =	vst v0  }
0x21: {  	[tilespmem:$0x29A0] =	vst v0  }
0x22: {  	[tilespmem:$0x29B0] =	vst v0  }
0x23: {  	[tilespmem:$0x29C0] =	vst v0  }
0x24: {  	[tilespmem:$0x29D0] =	vst v0  }
0x25: {  	[tilespmem:$0x29E0] =	vst v0  }
0x26: {  	[tilespmem:$0x29F0] =	vst v0  }
0x27: {  	[tilespmem:$0x2A00] =	vst v0  }
0x28: {  	[tilespmem:$0x2A10] =	vst v0  }
0x29: {  	[tilespmem:$0x2A20] =	vst v0  }
0x2a: {  	[tilespmem:$0x2A30] =	vst v0  }
0x2b: {  	[tilespmem:$0x2A40] =	vst v0  }
0x2c: {  	[tilespmem:$0x2A50] =	vst v0  }
0x2d: {  	[tilespmem:$0x2A60] =	vst v0  }
0x2e: {  	[tilespmem:$0x2A70] =	vst v0  }
0x2f: {  	[tilespmem:$0x2A80] =	vst v0  }
0x30: {  	[tilespmem:$0x2A90] =	vst v0  }
0x31: {  	[tilespmem:$0x2AA0] =	vst v0  }
0x32: {  	[tilespmem:$0x2AB0] =	vst v0  }
0x33: {  	[tilespmem:$0x2AC0] =	vst v0  }
0x34: {  	[tilespmem:$0x2AD0] =	vst v0  }
0x35: {  	[tilespmem:$0x2AE0] =	vst v0  }
0x36: {  	[tilespmem:$0x2AF0] =	vst v0  }
0x37: {  	[tilespmem:$0x2800] =	vst v1  }
0x38: {  	[tilespmem:$0x2810] =	vst v1  }
0x39: {  	[tilespmem:$0x2820] =	vst v1  }
0x3a: {  	[tilespmem:$0x2830] =	vst v1  }
0x3b: {  	[tilespmem:$0x2840] =	vst v1  }
0x3c: {  	[tilespmem:$0x2850] =	vst v1  }
0x3d: {  	[tilespmem:$0x2860] =	vst v1  }
0x3e: {  	[tilespmem:$0x2870] =	vst v1  }
0x3f: {  	[spmem:s4] =	stream.linear.scatter [tilespmem:s6], [sflag:$0x1], $0x280, $0x38;
	[tilespmem:$0x2D80] =	vst v63  }
0x40: {  	_ =	swait.ge [sflag:s7], $0x280  }
0x41: {  	[sflag:s7] =	ssyncset.done $0x0  }
0x42: {  	[sflag:s7] =	ssyncadd.s32 $0xFFFFFD80  }
0x43: {  	[tilespmem:s3], [sflag:$0x1] =	stream.linear.gather [hbm4b:s8+s3], $0x2780, $0x38;
	[tilespmem:$0x2D80] =	vst v63  }
0x44: {  	_ =	swait.ge [sflag:s7], $0x2780  }
0x45: {  	[sflag:s7] =	ssyncset.done $0x0  }
0x46: {  	[sflag:s7] =	ssyncadd.s32 $0xFFFFD880  }
0x47: {  	s17 =	simm.s32 $0x0;
	[bflag:$0x0] =	sbarrier.arrive $0xFFFF  }
0x48: {  	[spmem:s1] =	stream.indirect.scatter.add.f32 [tilespmem:s10], [sflag:$0x1], $0x1, s17, s9, $0xb8;
	[tilespmem:$0x2D80] =	vst v63  }
0x49: {  	_ =	swait.ge [sflag:s7], $0x80  }
0x4a: {  	s17 =	simm.s32 $0x200;
	[sflag:s7] =	ssyncset.done $0x0  }
.LBB2_2:
0x4b: {  	s18 =	sshra.s32 s17, $0x2;
	[sflag:s7] =	ssyncadd.s32 $0xFFFFFF80;
	p0 =	sne.s32 s17, $0x9C00  }
0x4c: {  	[spmem:s1] =	stream.indirect.scatter.add.f32 [tilespmem:s10], [sflag:$0x1], $0x1, s18, s9, $0xb8;
	[tilespmem:$0x2D80] =	vst v63  }
.Ltmp0:
0x4d: {  	_ = 	snop;
	(pc) =	sbr.rel @p0 .LBB2_2-.Ltmp0, $4  }
0x4e: {  	_ = 	snop  }
0x4f: {  	s17 =	sadd.s32 $0x200, s17  }
0x50: {  	_ =	swait.ge [sflag:s7], $0x80  }
0x51: {  	[sflag:s7] =	ssyncset.done $0x0  }
0x52: {  	s16 =	sadd.s32 $0x1, s16  }
0x53: {  	[sflag:s7] =	ssyncadd.s32 $0xFFFFFF80;
	p0 =	sne.s32 s16, s5  }
.Ltmp1:
0x54: {  	[bflag:$0x0] =	sbarrier.arrive $0xFFFF;
	(pc) =	sbr.rel @p0 .LBB2_1-.Ltmp1, $4  }
0x55: {  	[hbm:s11@s14], [sflag:s12] =	dma.strided [spmem:s13@s15], $0x50, s7, $0x10   }
0x56: {  	_ =	swait.ge [sflag:s7], $0x50  }
0x57: {  	[sflag:s7] =	ssyncset.done $0x0  }
0x58: {  	[sflag:s7] =	ssyncadd.s32 $0xFFFFFFB0  }
0x59: {  	_ =	sfence.sel $0x180000  }
0x5a: {  	[bflag:$0x0] =	sbarrier.arrive $0xFFFF  }
0x5b: {  	p0 =	sne.s32 s2, $0x0;
	_ =	strace $0x90000047  }
0x5c: {  	s0 =	sadd.s32 @!p0 $0x100000, s0;
	[bflag:$0x2] =	sbarrier.arrive $0xFFFF  }
0x5d: {  	[sflag:s0] =	ssyncadd.tile.s32 @!p0 $0x1;
	_ =	shalt  }
.Lfunc_end2:
_tile_overlayer_lowered:
.L_overlay_start_2:
0x5e: {  	(tag) =	ssettag $0x2  }
0x5f: {  	s0 =	rddreg [dreg:$0x0];
	s2 =	stileid.u32  }
0x60: {  	s1 =	rddreg [dreg:$0x1];
	p0 =	sne.s32 s2, $0x0  }
0x61: {  	s3 =	rddreg [dreg:$0x2];
	[bflag:$0x3] =	sbarrier.arrive $0xFFFF;
	s2 =	simm.s32 @!p0 $0x1C01  }
0x62: {  	[timem:s3], [sflag:s2] =	dma.local @!p0 [hbm:s0], s1  }
0x63: {  	s0 =	simm.s32 @!p0 $0x1  }
0x64: {  	_ =	swait.ge @!p0 [sflag:s0], s1  }
0x65: {  	s1 =	ssub.s32 @!p0 $0x0, s1;
	[sflag:s0] =	ssyncset.done @!p0 $0x0  }
0x66: {  	[sflag:s0] =	ssyncadd.s32 @!p0 s1  }
0x67: {  	[bflag:$0x3] =	sbarrier.arrive $0xFFFF  }
0x68: {  	_ =	shalt  }

// kernel: kernel.9.cloned.1.call-start
scs
__scs_entry_jumppad:
0x0: {  	(pc) =	sbr.rel $0x88, $3  }
0x1: {  	(tag) =	ssettag $0x0;
	lr =	simm.s32 $0x1  }
0x2: {  	[smem:$0x3F9D] =	sst lr;
	_ =	strace $0xD0000000  }
0x3: {  	_ = 	snop  }
0x4: {  	_ = 	snop  }
0x5: {  	_ = 	snop  }
0x6: {  	_ = 	snop  }
0x7: {  	_ = 	snop  }
__scs_overlays_trampoline_lowered:
0x8: {  	[smem:$0x3FAC] =	sst s0  }
0x9: {  	[smem:$0x3FAD] =	sst s1  }
0xa: {  	[smem:$0x3FAE] =	sst s2  }
0xb: {  	[smem:$0x3FAF] =	sst s3  }
0xc: {  	[smem:$0x3FB0] =	sst s4  }
0xd: {  	[smem:$0x3FB1] =	sst s5  }
0xe: {  	[smem:$0x3FB2] =	sst s6  }
0xf: {  	[smem:$0x3FB3] =	sst s7  }
0x10: {  	[smem:$0x3FB4] =	sst s8  }
0x11: {  	[smem:$0x3FB5] =	sst s9;
	s0 =	simm.s32 @!p0 $0x0  }
0x12: {  	s1 =	sld [smem:$0x3F9B];
	s0 =	simm.s32 @p0 $0x1  }
0x13: {  	[smem:$0x3FB6] =	sst s0;
	s0 =	simm.s32 @!p1 $0x0  }
0x14: {  	s2 =	sld [smem:$0x3F9A];
	s0 =	simm.s32 @p1 $0x1  }
0x15: {  	[smem:$0x3FB7] =	sst s0;
	s0 =	simm.s32 @!p2 $0x0  }
0x16: {  	s3 =	sld [smem:$0x3FDB];
	s0 =	simm.s32 @p2 $0x1  }
0x17: {  	s4 =	simm.s32 $0x1BF5;
	[smem:$0x3FB9] =	sst s0  }
0x18: {  	s0 =	sld [smem:$0x3F9C];
	_ =	swait.ge [sflag:s4], $0x0  }
0x19: {  	s7 =	sld [smem:$0x3F9D]  }
0x1a: {  	s8 =	sadd.s32 $0xFFFFE003, lr  }
0x1b: {  	s9 =	sadd.s32 $0xFFFFFEF7, lr;
	s5 =	simm.s32 $0xFFFFFFFF;
	p2 =	slt.u32 s8, $0xFFFFF086  }
0x1c: {  	p1 =	slt.u32 s9, $0xF7A;
	s5 =	simm.s32 @!p2 $0x0  }
0x1d: {  	s5 =	simm.s32 @p1 $0x1;
	p0 =	seq.s32 s7, s2  }
0x1e: {  	s7 =	smul.u32 @!p0 $0xF7A, s2;
	p2 =	seq.s32 @!p0 s5, $0x0  }
0x1f: {  	s9 =	smul.u32 $0xF7A, s1;
	s8 =	simm.s32 @!p0 $0x1BF5;
	p2 =	por !p2, p0  }
0x20: {  	[sflag:s8] =	ssyncset.s32 @!p0 $0xFFFFF086;
	s6 =	sadd.s32 @!p0 s3, s7;
	s7 =	simm.s32 @!p0 $0x108  }
0x21: {  	s3 =	sadd.s32 s3, s9;
	s6 =	sadd.s32 @!p0 $0x88, s6;
	s7 =	simm.s32 @p2 $0x1082  }
0x22: {  	[simem:s7], [sflag:s8] =	dma.local @!p0 [hbm:s6], $0xF7A  }
0x23: {  	s9 =	sor.u32 $0xD0000000, s2;
	s6 =	simm.s32 $0x108;
	_ =	swait.ge @!p0 [sflag:s8], $0x0  }
0x24: {  	s3 =	sadd.s32 $0x88, s3;
	s6 =	simm.s32 @!p1 $0x1082;
	[sflag:s4] =	ssyncset.s32 $0xFFFFF086  }
0x25: {  	[simem:s6], [sflag:s4] =	dma.local [hbm:s3], $0xF7A  }
0x26: {  	[smem:$0x3F9D] =	sst s1;
	(tag) =	ssettag s2;
	_ =	strace s9  }
0x27: {  	s1 =	sld [smem:$0x3FAD]  }
0x28: {  	s2 =	sld [smem:$0x3FAE]  }
0x29: {  	s4 =	sld [smem:$0x3FB0]  }
0x2a: {  	p0 =	seq.s32 s5, $0x0;
	s5 =	sld [smem:$0x3FB1]  }
0x2b: {  	s6 =	sld [smem:$0x3FB2]  }
0x2c: {  	s7 =	sld [smem:$0x3FB3]  }
0x2d: {  	s3 =	simm.s32 $0x108;
	s8 =	sld [smem:$0x3FB4]  }
0x2e: {  	s3 =	simm.s32 @!p0 $0x1082;
	s9 =	sld [smem:$0x3FB5]  }
0x2f: {  	lr =	sadd.s32 s0, s3;
	s0 =	sld [smem:$0x3FAC]  }
0x30: {  	s3 =	sld [smem:$0x3FAF]  }
0x31: {  	[smem:$0x3FB8] =	sst s10  }
0x32: {  	s10 =	sld [smem:$0x3FB6];
	_ =	sdelay $0x3  }
0x33: {  	p0 =	seq.s32 s10, $0x1;
	s10 =	sld [smem:$0x3FB8];
	_ =	sdelay $0x3  }
0x34: {  	[smem:$0x3FB8] =	sst s10  }
0x35: {  	s10 =	sld [smem:$0x3FB7];
	_ =	sdelay $0x3  }
0x36: {  	p1 =	seq.s32 s10, $0x1;
	s10 =	sld [smem:$0x3FB8];
	_ =	sdelay $0x3  }
0x37: {  	[smem:$0x3FB8] =	sst s10  }
0x38: {  	s10 =	sld [smem:$0x3FB9]  }
0x39: {  	_ = 	snop;
	(pc) =	sbr.ind lr, $3  }
0x3a: {  	_ = 	snop  }
0x3b: {  	_ = 	snop  }
0x3c: {  	p2 =	seq.s32 s10, $0x1;
	s10 =	sld [smem:$0x3FB8]  }
0x3d: {  	_ =	shalt  }
0x3e: {  	_ =	shalt  }
0x3f: {  	_ =	shalt  }
0x40: {  	_ =	shalt  }
0x41: {  	_ =	shalt  }
0x42: {  	_ =	shalt  }
0x43: {  	_ =	shalt  }
0x44: {  	_ =	shalt  }
0x45: {  	_ =	shalt  }
0x46: {  	_ =	shalt  }
0x47: {  	_ =	shalt  }
0x48: {  	_ =	shalt  }
0x49: {  	_ =	shalt  }
0x4a: {  	_ =	shalt  }
0x4b: {  	_ =	shalt  }
0x4c: {  	_ =	shalt  }
0x4d: {  	_ =	shalt  }
0x4e: {  	_ =	shalt  }
0x4f: {  	_ =	shalt  }
0x50: {  	_ =	shalt  }
0x51: {  	_ =	shalt  }
0x52: {  	_ =	shalt  }
0x53: {  	_ =	shalt  }
0x54: {  	_ =	shalt  }
0x55: {  	_ =	shalt  }
0x56: {  	_ =	shalt  }
0x57: {  	_ =	shalt  }
0x58: {  	_ =	shalt  }
0x59: {  	_ =	shalt  }
0x5a: {  	_ =	shalt  }
0x5b: {  	_ =	shalt  }
0x5c: {  	_ =	shalt  }
0x5d: {  	_ =	shalt  }
0x5e: {  	_ =	shalt  }
0x5f: {  	_ =	shalt  }
0x60: {  	_ =	shalt  }
0x61: {  	_ =	shalt  }
0x62: {  	_ =	shalt  }
0x63: {  	_ =	shalt  }
0x64: {  	_ =	shalt  }
0x65: {  	_ =	shalt  }
0x66: {  	_ =	shalt  }
0x67: {  	_ =	shalt  }
0x68: {  	_ =	shalt  }
0x69: {  	_ =	shalt  }
0x6a: {  	_ =	shalt  }
0x6b: {  	_ =	shalt  }
0x6c: {  	_ =	shalt  }
0x6d: {  	_ =	shalt  }
0x6e: {  	_ =	shalt  }
0x6f: {  	_ =	shalt  }
0x70: {  	_ =	shalt  }
0x71: {  	_ =	shalt  }
0x72: {  	_ =	shalt  }
0x73: {  	_ =	shalt  }
0x74: {  	_ =	shalt  }
0x75: {  	_ =	shalt  }
0x76: {  	_ =	shalt  }
0x77: {  	_ =	shalt  }
0x78: {  	_ =	shalt  }
0x79: {  	_ =	shalt  }
0x7a: {  	_ =	shalt  }
0x7b: {  	_ =	shalt  }
0x7c: {  	_ =	shalt  }
0x7d: {  	_ =	shalt  }
0x7e: {  	_ =	shalt  }
0x7f: {  	_ =	shalt  }
0x80: {  	_ =	shalt  }
0x81: {  	_ =	shalt  }
0x82: {  	_ =	shalt  }
0x83: {  	_ =	shalt  }
0x84: {  	_ =	shalt  }
0x85: {  	_ =	shalt  }
0x86: {  	_ =	shalt  }
0x87: {  	_ =	shalt  }
.Lfunc_end0:
.L_simem_size_0:
called_computation.1_lowered:
.L_overlay_start_0:
0x88: {  	s2 =	sld [smem:$0x3FD9]  }
0x89: {  	s3 =	sld [smem:$0x3FFE];
	_ =	sdelay $0x1  }
0x8a: {  	s1 =	srdreg.scid  }
0x8b: {  	s0 =	sand.u32 $0x1, s1  }
0x8c: {  	s17 =	sshll.u32 s0, $0xA;
	s2 =	sadd.s32 s3, s2  }
0x8d: {  	s2 =	sadd.s32 s2, s17  }
0x8e: {  	[smem:$0x3FC4] =	sst s2  }
0x8f: {  	_ = 	snop  }
0x90: {  	s2 =	sld [smem:$0x3FD0];
	(tm) =	ssettm $0x1  }
0x91: {  	s18 =	sld [smem:$0x3FFB];
	_ =	sdelay $0x3  }
0x92: {  	_ =	strace s18  }
0x93: {  	s3 =	sld [smem:$0x3FFC];
	_ =	sdelay $0x3  }
0x94: {  	_ =	strace s3  }
0x95: {  	s3 =	sld [smem:$0x3FFD];
	_ =	sdelay $0x3  }
0x96: {  	_ =	strace s3  }
0x97: {  	_ =	strace $0x8FFFFFFF  }
0x98: {  	s19 =	sld [smem:$0x3FDB];
	_ =	sdelay $0x1  }
0x99: {  	s4 =	simm.s32 $_scs_section_size  }
0x9a: {  	s5 =	simm.s32 $_size__tile_overlayer_lowered;
	s6 =	simm.s32 $_tile_overlayer_lowered  }
0x9b: {  	s22 =	simm.s32 $0x1BFF;
	s21 =	sshll.u32 s6, $0x1;
	s3 =	sadd.s32 s4, s19  }
0x9c: {  	s7 =	simm.s32 $0x0;
	s20 =	sshll.u32 s5, $0x1;
	s5 =	sadd.s32 s21, s3  }
0x9d: {  	[timem:s7], [sflag:s22] =	dma.local [hbm:s5], s20  }
0x9e: {  	_ =	swait.ge [sflag:s22], s20  }
0x9f: {  	s4 =	ssub.s32 $0x0, s20;
	[sflag:s22] =	ssyncset.done $0x0  }
0xa0: {  	[sflag:s22] =	ssyncadd.s32 s4;
	_ =	sdelay $0x1  }
0xa1: {  	s23 =	simm.s32 $0x1B8B  }
0xa2: {  	_ =	swait.ge [sflag:s23], $0x1  }
0xa3: {  	[sflag:s23] =	ssyncset.done $0x0  }
0xa4: {  	s25 =	simm.s32 $0x1B8E;
	s24 =	sld [smem:$0x3FFE];
	[sflag:s23] =	ssyncadd.s32 $0xFFFFFFFF  }
0xa5: {  	s26 =	simm.s32 $execute0_lowered;
	[smem:$0x3FD2] =	sst s25  }
0xa6: {  	s5 =	sshll.u32 s26, $0x1;
	_ =	strace $0x80000049;
	[dreg:$0x1] =	wrdreg $0xFFFFFFFF  }
0xa7: {  	s28 =	simm.s32 $_size_execute0_lowered;
	s3 =	sadd.s32 s3, s5;
	[dreg:$0x0] =	wrdreg $0x0  }
0xa8: {  	s5 =	sshll.u32 s28, $0x1;
	[dreg:$0x2] =	wrdreg s3  }
0xa9: {  	[dreg:$0x3] =	wrdreg s5  }
0xaa: {  	[dreg:$0x4] =	wrdreg $0xC0  }
0xab: {  	_ =	task [dreg:s7], $0x5FFFF  }
0xac: {  	[dreg:$0x1] =	wrdreg $0xFFFFFFFF  }
0xad: {  	[dreg:$0x0] =	wrdreg $0x60  }
0xae: {  	[dreg:$0x2] =	wrdreg s24  }
0xaf: {  	[dreg:$0x3] =	wrdreg s2  }
0xb0: {  	[dreg:$0x4] =	wrdreg $0x90000  }
0xb1: {  	[dreg:$0x5] =	wrdreg $0x9  }
0xb2: {  	_ =	task.clear_ibuf [dreg:s7], $0x6FFFF;
	_ =	strace $0x90000049  }
0xb3: {  	s29 =	simm.s32 $0x9;
	_ =	strace $0x8000004B  }
0xb4: {  	_ =	swait.ge [sflag:s29], $0x1  }
0xb5: {  	[sflag:s29] =	ssyncadd.s32 $0xFFFFFFFF  }
0xb6: {  	_ =	strace $0x9000004B  }
0xb7: {  	_ =	sfence  }
0xb8: {  	s30 =	sld [smem:$0x0];
	_ =	sdelay $0x2  }
0xb9: {  	s31 =	sshll.u32 s1, $0xD;
	s1 =	sshrl.u32 s1, $0x2  }
0xba: {  	s3 =	sand.u32 $0x4000, s31;
	s1 =	sadd.s32 s1, s30  }
0xbb: {  	s0 =	sor.u32 s3, s0;
	s1 =	sshll.u32 s1, $0x11  }
0xbc: {  	s0 =	sor.u32 s1, s0  }
0xbd: {  	s0 =	sadd.s32 $0x8F2B, s0  }
0xbe: {  	[sflag:s0] =	ssyncadd.remote.s32 $0x1  }
0xbf: {  	_ =	sfence.sel $0xFFFF  }
0xc0: {  	[dreg:$0x0] =	wrdreg $0xFFFFFFFF;
	(pc) =	sbr.abs _section_cstart, $3  }
0xc1: {  	[dreg:$0x1] =	wrdreg $0xFFFFFFFF  }
0xc2: {  	_ =	task.clear_ibuf [dreg:s7], $0x2FFFF;
	_ =	strace $0x9FFFFFFF  }
0xc3: {  	(tm) =	ssettm $0x7FFFFFFF  }
tec
execute0_lowered:
.L_overlay_start_1:
0x0: {  	(tag) =	ssettag $0x1  }
0x1: {  	s5 =	rddreg [dreg:$0x0]  }
0x2: {  	s6 =	rddreg [dreg:$0x1];
	s3 =	srdreg.scid  }
0x3: {  	s1 =	rddreg [dreg:$0x2];
	s7 =	sand.u32 $0x1, s3  }
0x4: {  	s0 =	rddreg [dreg:$0x3];
	s8 =	smul.u32 $0x5000, s7  }
0x5: {  	s2 =	simm.s32 $0x0;
	s3 =	stileid.u32;
	s9 =	smul.u32 $0x28000, s7  }
0x6: {  	s14 =	simm.s32 $0x5000;
	s15 =	simm.s32 $0x1;
	s11 =	smul.u32 $0x500, s3  }
0x7: {  	[smem:$0x7FF] =	sst s2;
	s4 =	sadd.s32 $0xC600, s5;
	s12 =	smul.u32 $0x50000, s3  }
0x8: {  	_ =	strace $0x8000004A;
	s7 =	ssub.s32 $0x2, s7;
	s16 =	smul.u32 $0x2800, s3  }
0x9: {  	s13 =	sshll.u32 s3, $0x6;
	s28 =	sshrl.u32 s7, $0x1;
	s10 =	sadd.s32 s8, s5  }
0xa: {  	s9 =	sadd.s32 s9, s5;
	s7 =	ssub.s32 s7, s28;
	s30 =	sadd.s32 s6, s8  }
0xb: {  	s31 =	sshrl.u32 s12, $0x2;
	s6 =	sadd.s32 s4, s16;
	s8 =	simm.s32 $0x2  }
0xc: {  	s29 =	sadd.s32 s11, s10;
	s12 =	sadd.s32 s31, s1;
	s17 =	sadd.s32 $0x34600, s9  }
0xd: {  	s7 =	smax.u32 s7, $0x1;
	s9 =	sadd.s32 s11, s30;
	s10 =	simm.s32 $0x2800  }
0xe: {  	s11 =	sor.u32 $0x1C02, s13;
	s13 =	simm.s32 $0x80;
	s5 =	sadd.s32 $0x2600, s29  }
0xf: {  	s12 =	sshrl.u32 s12, $0x3;
	s16 =	sadd.s32 s16, s17;
	s17 =	simm.s32 $0x0  }
.LBB2_1:
0x10: {  	[tilespmem:s2], [sflag:$0x2] =	stream.linear.gather [hbm4b:s5+s2], $0x2780, $0x38;
	[tilespmem:$0x1D000] =	vst v63  }
0x11: {  	_ =	swait.ge [sflag:s8], $0x2780  }
0x12: {  	[sflag:s8] =	ssyncset.done $0x0  }
0x13: {  	[sflag:s8] =	ssyncadd.s32 $0xFFFFD880  }
0x14: {  	[tilespmem:s10], [sflag:$0x2] =	stream.linear.gather [hbm4b:s9+s2], $0x2780, $0x38;
	[tilespmem:$0x1D000] =	vst v63  }
0x15: {  	_ =	swait.ge [sflag:s8], $0x2780  }
0x16: {  	[sflag:s8] =	ssyncset.done $0x0  }
0x17: {  	[sflag:s8] =	ssyncadd.s32 $0xFFFFD880  }
0x18: {  	[spmem:s12], [sflag:s11] =	dma.local [hbm:s6], $0x2800  }
0x19: {  	_ =	swait.ge [sflag:s8], $0x2800  }
0x1a: {  	[sflag:s8] =	ssyncset.done $0x0  }
0x1b: {  	[sflag:s8] =	ssyncadd.s32 $0xFFFFD800  }
0x1c: {  	s18 =	simm.s32 $0x0;
	[bflag:$0x0] =	sbarrier.arrive $0xFFFF  }
0x1d: {  	[tilespmem:s14], [sflag:$0x1] =	stream.indirect.gather [hbm4b:s4+s13], $0x80, s18, s13, $0xb8;
	[tilespmem:$0x1D000] =	vst v63  }
0x1e: {  	_ =	swait.ge [sflag:s15], $0x4000  }
0x1f: {  	[sflag:s15] =	ssyncset.done $0x0  }
0x20: {  	s31 =	simm.s32 $0x2800;
	[sflag:s15] =	ssyncadd.s32 $0xFFFFC000  }
0x21: {  	[spmem:s1] =	stream.indirect.scatter.add.f32 [tilespmem:s14], [sflag:$0x2], $0x80, s31, s13, $0xb8;
	[tilespmem:$0x1D000] =	vst v63  }
0x22: {  	_ =	swait.ge [sflag:s8], $0x4000  }
0x23: {  	s19 =	simm.s32 $0x400;
	s18 =	simm.s32 $0x200;
	[sflag:s8] =	ssyncset.done $0x0  }
.LBB2_2:
0x24: {  	s20 =	sshra.s32 s18, $0x2  }
0x25: {  	[sflag:s8] =	ssyncadd.s32 $0xFFFFC000;
	s18 =	smov.u32 s19;
	s21 =	sadd.s32 $0x200, s19  }
0x26: {  	[tilespmem:s14], [sflag:$0x1] =	stream.indirect.gather [hbm4b:s4+s13], $0x80, s20, s13, $0xb8;
	[tilespmem:$0x1D000] =	vst v63  }
0x27: {  	p0 =	sne.s32 s19, $0x9C00;
	_ =	swait.ge [sflag:s15], $0x4000  }
.Ltmp0:
0x28: {  	[sflag:s15] =	ssyncset.done $0x0;
	(pc) =	sbr.rel @p0 .LBB2_2-.Ltmp0, $4  }
0x29: {  	s19 =	sadd.s32 $0x2800, s20;
	[sflag:s15] =	ssyncadd.s32 $0xFFFFC000  }
0x2a: {  	[spmem:s1] =	stream.indirect.scatter.add.f32 [tilespmem:s14], [sflag:$0x2], $0x80, s19, s13, $0xb8;
	[tilespmem:$0x1D000] =	vst v63  }
0x2b: {  	_ =	swait.ge [sflag:s8], $0x4000  }
0x2c: {  	s19 =	smov.u32 s21;
	[sflag:s8] =	ssyncset.done $0x0  }
0x2d: {  	s18 =	sshra.s32 s18, $0x2;
	[sflag:s8] =	ssyncadd.s32 $0xFFFFC000  }
0x2e: {  	[tilespmem:s14], [sflag:$0x1] =	stream.indirect.gather [hbm4b:s4+s13], $0x80, s18, s13, $0xb8;
	[tilespmem:$0x1D000] =	vst v63  }
0x2f: {  	_ =	swait.ge [sflag:s15], $0x4000  }
0x30: {  	[sflag:s15] =	ssyncset.done $0x0  }
0x31: {  	s18 =	sadd.s32 $0x2800, s18;
	[sflag:s15] =	ssyncadd.s32 $0xFFFFC000  }
0x32: {  	[spmem:s1] =	stream.indirect.scatter.add.f32 [tilespmem:s14], [sflag:$0x2], $0x80, s18, s13, $0xb8;
	[tilespmem:$0x1D000] =	vst v63  }
0x33: {  	_ =	swait.ge [sflag:s8], $0x4000  }
0x34: {  	s17 =	sadd.s32 $0x1, s17;
	[sflag:s8] =	ssyncset.done $0x0  }
0x35: {  	p0 =	sne.s32 s17, s7;
	[sflag:s8] =	ssyncadd.s32 $0xFFFFC000  }
.Ltmp1:
0x36: {  	[bflag:$0x0] =	sbarrier.arrive $0xFFFF;
	(pc) =	sbr.rel @p0 .LBB2_1-.Ltmp1, $4  }
0x37: {  	[hbm:s16], [sflag:s11] =	dma.local [spmem:s12], $0x2800  }
0x38: {  	_ =	swait.ge [sflag:s8], $0x2800  }
0x39: {  	[sflag:s8] =	ssyncset.done $0x0  }
0x3a: {  	[sflag:s8] =	ssyncadd.s32 $0xFFFFD800  }
0x3b: {  	_ =	sfence.sel $0x180000  }
0x3c: {  	[bflag:$0x0] =	sbarrier.arrive $0xFFFF  }
0x3d: {  	p0 =	sne.s32 s3, $0x0;
	_ =	strace $0x9000004A  }
0x3e: {  	s0 =	sadd.s32 @!p0 $0x100000, s0;
	[bflag:$0x2] =	sbarrier.arrive $0xFFFF  }
0x3f: {  	[sflag:s0] =	ssyncadd.tile.s32 @!p0 $0x1;
	_ =	shalt  }
.Lfunc_end2:
_tile_overlayer_lowered:
.L_overlay_start_2:
0x40: {  	(tag) =	ssettag $0x2  }
0x41: {  	s0 =	rddreg [dreg:$0x0];
	s2 =	stileid.u32  }
0x42: {  	s1 =	rddreg [dreg:$0x1];
	p0 =	sne.s32 s2, $0x0  }
0x43: {  	s3 =	rddreg [dreg:$0x2];
	[bflag:$0x3] =	sbarrier.arrive $0xFFFF;
	s2 =	simm.s32 @!p0 $0x1C02  }
0x44: {  	[timem:s3], [sflag:s2] =	dma.local @!p0 [hbm:s0], s1  }
0x45: {  	s0 =	simm.s32 @!p0 $0x2  }
0x46: {  	_ =	swait.ge @!p0 [sflag:s0], s1  }
0x47: {  	s1 =	ssub.s32 @!p0 $0x0, s1;
	[sflag:s0] =	ssyncset.done @!p0 $0x0  }
0x48: {  	[sflag:s0] =	ssyncadd.s32 @!p0 s1  }
0x49: {  	[bflag:$0x3] =	sbarrier.arrive $0xFFFF  }
0x4a: {  	_ =	shalt  }

</sc_bundles>
